<compile_context>
chip_gen: v7x
topology: tpu7x:2x2x1
jax: 0.10.2.dev20260603
libtpu: 0.0.44.dev20260713+nightly
codegen_flags: <defaults>
</compile_context>

<pallas_src>
import jax
import jax.numpy as jnp
from jax import lax
from jax.experimental import pallas as pl
from jax.experimental.pallas import tpu as pltpu
from jax.experimental.pallas import tpu_sc as plsc

B, N, C, H, W = 4, 100, 256, 64, 64
IMG = 1024
NUM_CLASSES = 80
SCALE = float(W) / float(IMG)
HP, WP = H + 1, W + 1
ROWS_PER_B = HP * WP
NB = B * N
NNEG = B * NUM_CLASSES
NITEMS = NB + NNEG
GROUP = 16
NGROUPS = NITEMS // GROUP
NWORKERS = 32
CHUNKS = C // 16
ROWSTRIDE = 72
BROWS = HP * ROWSTRIDE


def _sat_body(x_ref, p_ref):
    hc = 128
    p_ref[0, 0, 0] = jnp.zeros((ROWSTRIDE, hc), jnp.float32)

    def wcum(r):
        for k in (1, 2, 4, 8, 16, 32):
            r = r + jnp.concatenate(
                [jnp.zeros((k, hc), jnp.float32), r[:-k]], axis=0)
        return r

    def prow(acc):
        return jnp.concatenate(
            [jnp.zeros((1, hc), jnp.float32), acc,
             jnp.zeros((ROWSTRIDE - WP, hc), jnp.float32)], axis=0)

    def row_step(i, acc):
        y = i * 2
        r0 = wcum(x_ref[0, 0, y])
        r1 = wcum(x_ref[0, 0, y + 1])
        acc0 = acc + r0
        acc1 = acc0 + r1
        p_ref[0, 0, y + 1] = prow(acc0)
        p_ref[0, 0, y + 2] = prow(acc1)
        return acc1

    lax.fori_loop(0, H // 2, row_step, jnp.zeros((W, hc), jnp.float32))


def _sat_call(featH):
    return pl.pallas_call(
        _sat_body,
        grid=(2, B),
        in_specs=[pl.BlockSpec((1, 1, H, W, 128),
                               lambda h, b: (h, b, 0, 0, 0))],
        out_specs=pl.BlockSpec((1, 1, HP, ROWSTRIDE, 128),
                               lambda h, b: (h, b, 0, 0, 0)),
        out_shape=jax.ShapeDtypeStruct((2, B, HP, ROWSTRIDE, 128),
                                       jnp.float32),
    )(featH)


HALF_OFF = B * BROWS


def _sc_body(p_hbm, crd_h, out_h, crdv,
             ca0, cb0, cc0, cd0, ca1, cb1, cc1, cd1, outv,
             s0, s1, s2, s3, s4, s5, s6, s7):
    cid = lax.axis_index("c")
    sid = lax.axis_index("s")
    wid = sid * 2 + cid

    pltpu.sync_copy(crd_h, crdv)

    for t in range(2):
        gid = wid + NWORKERS * t

        @pl.when(gid < NGROUPS)
        def _():
            off = gid * GROUP
            sl = pl.ds(off, GROUP)
            xi1 = (crdv[0, sl] * SCALE).astype(jnp.int32)
            yi1 = (crdv[1, sl] * SCALE).astype(jnp.int32)
            xi2 = (crdv[2, sl] * SCALE).astype(jnp.int32)
            yi2 = (crdv[3, sl] * SCALE).astype(jnp.int32)
            base = crdv[4, sl].astype(jnp.int32)
            ia = base + yi2 * ROWSTRIDE + xi2
            ib = base + yi1 * ROWSTRIDE + xi2
            ic = base + yi2 * ROWSTRIDE + xi1
            idd = base + yi1 * ROWSTRIDE + xi1
            ds_ = [pltpu.async_copy(p_hbm.at[ia], ca0, s0),
                   pltpu.async_copy(p_hbm.at[ib], cb0, s1),
                   pltpu.async_copy(p_hbm.at[ic], cc0, s2),
                   pltpu.async_copy(p_hbm.at[idd], cd0, s3),
                   pltpu.async_copy(p_hbm.at[ia + HALF_OFF], ca1, s4),
                   pltpu.async_copy(p_hbm.at[ib + HALF_OFF], cb1, s5),
                   pltpu.async_copy(p_hbm.at[ic + HALF_OFF], cc1, s6),
                   pltpu.async_copy(p_hbm.at[idd + HALF_OFF], cd1, s7)]
            for d in ds_:
                d.wait()

            def item(i, carry):
                for k in range(8):
                    ch = pl.ds(k * 16, 16)
                    outv[i, ch] = (ca0[i, ch] - cb0[i, ch]
                                   - cc0[i, ch] + cd0[i, ch])
                for k in range(8):
                    ch = pl.ds(k * 16, 16)
                    och = pl.ds(128 + k * 16, 16)
                    outv[i, och] = (ca1[i, ch] - cb1[i, ch]
                                    - cc1[i, ch] + cd1[i, ch])
                return carry

            lax.fori_loop(0, GROUP, item, 0)
            pltpu.sync_copy(outv, out_h.at[sl])


def _sc_call(p_half, crd):
    mesh = plsc.VectorSubcoreMesh(
        core_axis_name="c", subcore_axis_name="s",
        num_cores=2, num_subcores=16)
    f32 = jnp.float32
    cbuf = pltpu.VMEM((GROUP, 128), f32)
    kern = pl.kernel(
        _sc_body,
        out_type=jax.ShapeDtypeStruct((NITEMS, C), f32),
        mesh=mesh,
        scratch_types=[pltpu.VMEM((5, NITEMS), f32)]
        + [cbuf] * 8
        + [pltpu.VMEM((GROUP, C), f32)]
        + [pltpu.SemaphoreType.DMA] * 8,
    )
    return kern(p_half, crd)


def _seg_body(bsum_ref, neg_ref, bxt_ref, gt_ref, out_ref):
    f32 = jnp.float32
    bx = bxt_ref[0]
    xi1 = jnp.floor(bx[0:1] * SCALE)
    yi1 = jnp.floor(bx[1:2] * SCALE)
    xi2 = jnp.floor(bx[2:3] * SCALE)
    yi2 = jnp.floor(bx[3:4] * SCALE)
    cnt = (xi2 - xi1) * (yi2 - yi1)
    valid = (cnt > 0).astype(f32)
    inv = valid / jnp.maximum(cnt, 1.0)
    cls = gt_ref[0]
    kio = lax.broadcasted_iota(jnp.int32, (NUM_CLASSES, N), 0)
    onehot = (kio == cls).astype(f32)
    ccnt = jnp.sum(onehot * valid, axis=1, keepdims=True)
    csum = jnp.dot(onehot * inv, bsum_ref[0],
                   preferred_element_type=f32,
                   precision=lax.Precision.HIGHEST)
    avg = csum / jnp.maximum(ccnt, 1.0)
    out_ref[0] = jnp.where(ccnt > 0, avg, neg_ref[0])


def _seg_call(bsum, negv, bxT, gt3):
    return pl.pallas_call(
        _seg_body,
        grid=(B,),
        in_specs=[
            pl.BlockSpec((1, N, C), lambda b: (b, 0, 0)),
            pl.BlockSpec((1, NUM_CLASSES, C), lambda b: (b, 0, 0)),
            pl.BlockSpec((1, 4, N), lambda b: (b, 0, 0)),
            pl.BlockSpec((1, 1, N), lambda b: (b, 0, 0)),
        ],
        out_specs=pl.BlockSpec((1, NUM_CLASSES, C), lambda b: (b, 0, 0)),
        out_shape=jax.ShapeDtypeStruct((B, NUM_CLASSES, C), jnp.float32),
    )(bsum, negv, bxT, gt3)


def _neg_and_base_consts():
    f32 = jnp.float32
    kk = jax.random.key(1)
    ry = jax.random.randint(jax.random.fold_in(kk, 0), (B, NUM_CLASSES), 0, H)
    rx = jax.random.randint(jax.random.fold_in(kk, 1), (B, NUM_CLASSES), 0, W)
    neg = jnp.stack([
        (rx.astype(f32) * 16.0).reshape(-1),
        (ry.astype(f32) * 16.0).reshape(-1),
        ((rx + 1).astype(f32) * 16.0).reshape(-1),
        ((ry + 1).astype(f32) * 16.0).reshape(-1),
    ])
    base = jnp.concatenate([
        (jnp.arange(NB, dtype=jnp.int32) // N) * BROWS,
        (jnp.arange(NNEG, dtype=jnp.int32) // NUM_CLASSES) * BROWS,
    ]).astype(f32).reshape(1, NITEMS)
    return neg, base


def kernel(features, boxes, gt_classes):
    featH = features.reshape(B, 2, 128, H, W).transpose(1, 0, 3, 4, 2)
    p = _sat_call(featH)
    p_half = p.reshape(2 * B * HP * ROWSTRIDE, 128)

    neg, base = _neg_and_base_consts()
    bxT = jnp.transpose(boxes, (0, 2, 1))
    bpart = bxT.transpose(1, 0, 2).reshape(4, NB)
    crd = jnp.concatenate(
        [jnp.concatenate([bpart, neg], axis=1), base], axis=0)

    sums = _sc_call(p_half, crd)

    bsum = sums[:NB].reshape(B, N, C)
    negv = sums[NB:].reshape(B, NUM_CLASSES, C)
    gt3 = gt_classes.astype(jnp.int32).reshape(B, 1, N)
    return _seg_call(bsum, negv, bxT, gt3)

    neg, base = _neg_and_base_consts()
    bxT = jnp.transpose(boxes, (0, 2, 1))
    bpart = bxT.transpose(1, 0, 2).reshape(4, NB)
    crd = jnp.concatenate(
        [jnp.concatenate([bpart, neg], axis=1), base], axis=0)

    sums = _sc_call(p_flat, crd)

    bsum = sums[:NB].reshape(B, N, C)
    negv = sums[NB:].reshape(B, NUM_CLASSES, C)
    gt3 = gt_classes.astype(jnp.int32).reshape(B, 1, N)
    return _seg_call(bsum, negv, bxT, gt3)

# --- scband reference (transcript-rebuilt; emitter-appended) ---
"""Pipeline reference for scband-visual-prompt-encoder-49074296324730 (READ-ONLY COPY).

The authoritative reference and input builder live on the scoring server;
editing this copy changes nothing except your own understanding.
"""

import jax, jax.numpy as jnp
import numpy as np

B, N, C, H, W = 4, 100, 256, 64, 64
IMG = 1024  # original image size (square) used for scale_x/scale_y
NUM_CLASSES = 80


def setup_inputs(seed: int = 0) -> dict:
    key = jax.random.key(seed)
    k1, k2, k3 = jax.random.split(key, 3)
    features = jax.random.normal(k1, (B, C, H, W), dtype=jnp.float32)
    # build valid boxes in image coordinates: sort corner pairs so x2>=x1, y2>=y1
    xs = jnp.sort(jax.random.uniform(k2, (B, N, 2), dtype=jnp.float32) * IMG, axis=-1)
    ys = jnp.sort(jax.random.uniform(k3, (B, N, 2), dtype=jnp.float32) * IMG, axis=-1)
    boxes = jnp.stack([xs[..., 0], ys[..., 0], xs[..., 1], ys[..., 1]], axis=-1)
    gt_classes = jax.random.randint(jax.random.fold_in(key, 7), (B, N), 0, NUM_CLASSES)
    return {"features": features, "boxes": boxes, "gt_classes": gt_classes}


def reference(features, boxes, gt_classes):
    Bb, Cc, Hh, Ww = features.shape
    Nn = boxes.shape[1]
    scale_x = Ww / IMG
    scale_y = Hh / IMG
    sb = boxes * jnp.array([scale_x, scale_y, scale_x, scale_y], dtype=boxes.dtype)
    # .int() truncation (coords nonnegative -> floor)
    bi = jnp.floor(sb).astype(jnp.int32)
    x1, y1, x2, y2 = bi[..., 0], bi[..., 1], bi[..., 2], bi[..., 3]
    ys_g = jnp.arange(Hh)
    xs_g = jnp.arange(Ww)
    my = (ys_g[None, None, :] >= y1[..., None]) & (ys_g[None, None, :] < y2[..., None])  # [B,N,H]
    mx = (xs_g[None, None, :] >= x1[..., None]) & (xs_g[None, None, :] < x2[..., None])  # [B,N,W]
    mask = (my[..., :, None] & mx[..., None, :]).astype(features.dtype)  # [B,N,H,W]
    cnt = mask.sum(axis=(-2, -1))  # [B,N] number of pixels in each ROI
    # adaptive_avg_pool2d(., (1,1)) over the crop == masked mean over the ROI
    sums = jnp.einsum('bchw,bnhw->bnc', features, mask)
    pooled = sums / jnp.maximum(cnt, 1.0)[..., None]  # [B,N,C]
    valid = (cnt > 0).astype(features.dtype)  # boxes with numel()==0 are skipped
    # per-(batch,class) segment mean: scatter-add into B*80 segments
    seg = (jnp.arange(Bb)[:, None] * NUM_CLASSES + gt_classes).reshape(-1)
    csum = jax.ops.segment_sum((pooled * valid[..., None]).reshape(Bb * Nn, Cc), seg, num_segments=Bb * NUM_CLASSES)
    ccnt = jax.ops.segment_sum(valid.reshape(Bb * Nn), seg, num_segments=Bb * NUM_CLASSES)
    avg = (csum / jnp.maximum(ccnt, 1.0)[:, None]).reshape(Bb, NUM_CLASSES, Cc)
    # classes with no boxes: negative sample at a random spatial location
    kk = jax.random.key(1)
    ry = jax.random.randint(jax.random.fold_in(kk, 0), (Bb, NUM_CLASSES), 0, Hh)
    rx = jax.random.randint(jax.random.fold_in(kk, 1), (Bb, NUM_CLASSES), 0, Ww)
    neg = features[jnp.arange(Bb)[:, None], :, ry, rx]  # [B,80,C]
    has = (ccnt.reshape(Bb, NUM_CLASSES) > 0)[..., None]
    out = jnp.where(has, avg, neg)
    return out

if __name__ == "__main__":
    import jax
    _d = setup_inputs()
    print(jax.jit(kernel)(*tuple(_d.values())))

</pallas_src>

<mosaic_0001>
#map = affine_map<(d0, d1) -> (0, 0)>
module attributes {stable_mosaic.version = 14 : i64} {
  func.func @_sc_body(%arg0: i32, %arg1: i32, %arg2: memref<37440x128xf32, #tpu.memory_space<hbm>>, %arg3: memref<5x720xf32, #tpu.memory_space<hbm>>, %arg4: memref<720x256xf32, #tpu.memory_space<hbm>>, %arg5: memref<5x720xf32, #tpu.memory_space<vmem>>, %arg6: memref<16x128xf32, #tpu.memory_space<vmem>>, %arg7: memref<16x128xf32, #tpu.memory_space<vmem>>, %arg8: memref<16x128xf32, #tpu.memory_space<vmem>>, %arg9: memref<16x128xf32, #tpu.memory_space<vmem>>, %arg10: memref<16x128xf32, #tpu.memory_space<vmem>>, %arg11: memref<16x128xf32, #tpu.memory_space<vmem>>, %arg12: memref<16x128xf32, #tpu.memory_space<vmem>>, %arg13: memref<16x128xf32, #tpu.memory_space<vmem>>, %arg14: memref<16x256xf32, #tpu.memory_space<vmem>>, %arg15: memref<!tpu.dma_semaphore, #tpu.memory_space<semaphore_mem>>, %arg16: memref<!tpu.dma_semaphore, #tpu.memory_space<semaphore_mem>>, %arg17: memref<!tpu.dma_semaphore, #tpu.memory_space<semaphore_mem>>, %arg18: memref<!tpu.dma_semaphore, #tpu.memory_space<semaphore_mem>>, %arg19: memref<!tpu.dma_semaphore, #tpu.memory_space<semaphore_mem>>, %arg20: memref<!tpu.dma_semaphore, #tpu.memory_space<semaphore_mem>>, %arg21: memref<!tpu.dma_semaphore, #tpu.memory_space<semaphore_mem>>, %arg22: memref<!tpu.dma_semaphore, #tpu.memory_space<semaphore_mem>>) attributes {dimension_semantics = [#tpu.dimension_semantics<core_parallel>, #tpu.dimension_semantics<subcore_parallel>], iteration_bounds = array<i64: 2, 16>, scalar_prefetch = 0 : i64, scratch_operands = 18 : i64, tpu.core_type = #tpu.core_type<sc_vector_subcore>, window_params = [{transform_indices = #map}, {transform_indices = #map}, {transform_indices = #map}]} {
    %mul3A = arith.constant 2 : i32
    %mul3A_0 = arith.muli %arg1, %mul3A : i32
    %add3A = arith.addi %mul3A_0, %arg0 : i32
    "tpu.region"() ({
      %run_scoped3A = tpu.sem_alloc : memref<!tpu.dma_semaphore, #tpu.memory_space<semaphore_mem>>
      tpu.enqueue_dma source(%arg3 : memref<5x720xf32, #tpu.memory_space<hbm>>) target(%arg5 : memref<5x720xf32, #tpu.memory_space<vmem>>) target_semaphore(%run_scoped3A : memref<!tpu.dma_semaphore, #tpu.memory_space<semaphore_mem>>)
      tpu.wait_dma2 semaphore(%run_scoped3A : memref<!tpu.dma_semaphore, #tpu.memory_space<semaphore_mem>>) src(%arg3 : memref<5x720xf32, #tpu.memory_space<hbm>>) dst(%arg5 : memref<5x720xf32, #tpu.memory_space<vmem>>)
      tpu.yield
    }) : () -> ()
    %add3A_1 = arith.constant 0 : i32
    %add3A_2 = arith.addi %add3A, %add3A_1 : i32
    %lt3A = arith.constant 45 : i32
    %lt3A_3 = arith.cmpi slt, %add3A_2, %lt3A : i32
    %convert_element_type3A = arith.extui %lt3A_3 : i1 to i32
    %cond3A = arith.constant 0 : i32
    %cond3A_4 = arith.cmpi ne, %convert_element_type3A, %cond3A : i32
    scf.if %cond3A_4 {
      %mul3A_12 = arith.constant 16 : i32
      %mul3A_13 = arith.muli %add3A_2, %mul3A_12 : i32
      %get3A = arith.constant 0 : i32
      %get3A_14 = arith.index_cast %get3A : i32 to index
      %get3A_15 = arith.index_cast %mul3A_13 : i32 to index
      %get3A_16 = tpu.vector_load %arg5[%get3A_14, %get3A_15] {strides = array<i32>} : memref<5x720xf32, #tpu.memory_space<vmem>>, vector<1x16xf32>,
      %get3A_17 = vector.shape_cast %get3A_16 : vector<1x16xf32> to vector<16xf32>
      %mul3A_18 = arith.constant 6.250000e-02 : f32
      %mul3A_19 = vector.broadcast %mul3A_18 : f32 to vector<16xf32>
      %mul3A_20 = arith.mulf %get3A_17, %mul3A_19 : vector<16xf32>
      %convert_element_type3A_21 = arith.fptosi %mul3A_20 : vector<16xf32> to vector<16xi32>
      %get3A_22 = arith.constant 1 : i32
      %get3A_23 = arith.index_cast %get3A_22 : i32 to index
      %get3A_24 = arith.index_cast %mul3A_13 : i32 to index
      %get3A_25 = tpu.vector_load %arg5[%get3A_23, %get3A_24] {strides = array<i32>} : memref<5x720xf32, #tpu.memory_space<vmem>>, vector<1x16xf32>,
      %get3A_26 = vector.shape_cast %get3A_25 : vector<1x16xf32> to vector<16xf32>
      %mul3A_27 = arith.constant 6.250000e-02 : f32
      %mul3A_28 = vector.broadcast %mul3A_27 : f32 to vector<16xf32>
      %mul3A_29 = arith.mulf %get3A_26, %mul3A_28 : vector<16xf32>
      %convert_element_type3A_30 = arith.fptosi %mul3A_29 : vector<16xf32> to vector<16xi32>
      %get3A_31 = arith.constant 2 : i32
      %get3A_32 = arith.index_cast %get3A_31 : i32 to index
      %get3A_33 = arith.index_cast %mul3A_13 : i32 to index
      %get3A_34 = tpu.vector_load %arg5[%get3A_32, %get3A_33] {strides = array<i32>} : memref<5x720xf32, #tpu.memory_space<vmem>>, vector<1x16xf32>,
      %get3A_35 = vector.shape_cast %get3A_34 : vector<1x16xf32> to vector<16xf32>
      %mul3A_36 = arith.constant 6.250000e-02 : f32
      %mul3A_37 = vector.broadcast %mul3A_36 : f32 to vector<16xf32>
      %mul3A_38 = arith.mulf %get3A_35, %mul3A_37 : vector<16xf32>
      %convert_element_type3A_39 = arith.fptosi %mul3A_38 : vector<16xf32> to vector<16xi32>
      %get3A_40 = arith.constant 3 : i32
      %get3A_41 = arith.index_cast %get3A_40 : i32 to index
      %get3A_42 = arith.index_cast %mul3A_13 : i32 to index
      %get3A_43 = tpu.vector_load %arg5[%get3A_41, %get3A_42] {strides = array<i32>} : memref<5x720xf32, #tpu.memory_space<vmem>>, vector<1x16xf32>,
      %get3A_44 = vector.shape_cast %get3A_43 : vector<1x16xf32> to vector<16xf32>
      %mul3A_45 = arith.constant 6.250000e-02 : f32
      %mul3A_46 = vector.broadcast %mul3A_45 : f32 to vector<16xf32>
      %mul3A_47 = arith.mulf %get3A_44, %mul3A_46 : vector<16xf32>
      %convert_element_type3A_48 = arith.fptosi %mul3A_47 : vector<16xf32> to vector<16xi32>
      %get3A_49 = arith.constant 4 : i32
      %get3A_50 = arith.index_cast %get3A_49 : i32 to index
      %get3A_51 = arith.index_cast %mul3A_13 : i32 to index
      %get3A_52 = tpu.vector_load %arg5[%get3A_50, %get3A_51] {strides = array<i32>} : memref<5x720xf32, #tpu.memory_space<vmem>>, vector<1x16xf32>,
      %get3A_53 = vector.shape_cast %get3A_52 : vector<1x16xf32> to vector<16xf32>
      %convert_element_type3A_54 = arith.fptosi %get3A_53 : vector<16xf32> to vector<16xi32>
      %mul3A_55 = arith.constant 72 : i32
      %mul3A_56 = vector.broadcast %mul3A_55 : i32 to vector<16xi32>
      %mul3A_57 = arith.muli %convert_element_type3A_48, %mul3A_56 : vector<16xi32>
      %add3A_58 = arith.addi %convert_element_type3A_54, %mul3A_57 : vector<16xi32>
      %add3A_59 = arith.addi %add3A_58, %convert_element_type3A_39 : vector<16xi32>
      %mul3A_60 = arith.constant 72 : i32
      %mul3A_61 = vector.broadcast %mul3A_60 : i32 to vector<16xi32>
      %mul3A_62 = arith.muli %convert_element_type3A_30, %mul3A_61 : vector<16xi32>
      %add3A_63 = arith.addi %convert_element_type3A_54, %mul3A_62 : vector<16xi32>
      %add3A_64 = arith.addi %add3A_63, %convert_element_type3A_39 : vector<16xi32>
      %mul3A_65 = arith.constant 72 : i32
      %mul3A_66 = vector.broadcast %mul3A_65 : i32 to vector<16xi32>
      %mul3A_67 = arith.muli %convert_element_type3A_48, %mul3A_66 : vector<16xi32>
      %add3A_68 = arith.addi %convert_element_type3A_54, %mul3A_67 : vector<16xi32>
      %add3A_69 = arith.addi %add3A_68, %convert_element_type3A_21 : vector<16xi32>
      %mul3A_70 = arith.constant 72 : i32
      %mul3A_71 = vector.broadcast %mul3A_70 : i32 to vector<16xi32>
      %mul3A_72 = arith.muli %convert_element_type3A_30, %mul3A_71 : vector<16xi32>
      %add3A_73 = arith.addi %convert_element_type3A_54, %mul3A_72 : vector<16xi32>
      %add3A_74 = arith.addi %add3A_73, %convert_element_type3A_21 : vector<16xi32>
      %dma_start3A = arith.constant 0 : i32
      %dma_start3A_75 = arith.constant 0 : i32
      %dma_start3A_76 = tpu.memref_slice %arg2[%dma_start3A, %dma_start3A_75] : memref<37440x128xf32, #tpu.memory_space<hbm>> -> memref<37440x128xf32, #tpu.memory_space<hbm>>
      tpu.enqueue_indirect_dma source(%dma_start3A_76 : memref<37440x128xf32, #tpu.memory_space<hbm>>) target(%arg6 : memref<16x128xf32, #tpu.memory_space<vmem>>) offsets(%add3A_59 : vector<16xi32>) semaphore(%arg15 : memref<!tpu.dma_semaphore, #tpu.memory_space<semaphore_mem>>)
      %dma_start3A_77 = arith.constant 0 : i32
      %dma_start3A_78 = arith.constant 0 : i32
      %dma_start3A_79 = tpu.memref_slice %arg2[%dma_start3A_77, %dma_start3A_78] : memref<37440x128xf32, #tpu.memory_space<hbm>> -> memref<37440x128xf32, #tpu.memory_space<hbm>>
      tpu.enqueue_indirect_dma source(%dma_start3A_79 : memref<37440x128xf32, #tpu.memory_space<hbm>>) target(%arg7 : memref<16x128xf32, #tpu.memory_space<vmem>>) offsets(%add3A_64 : vector<16xi32>) semaphore(%arg16 : memref<!tpu.dma_semaphore, #tpu.memory_space<semaphore_mem>>)
      %dma_start3A_80 = arith.constant 0 : i32
      %dma_start3A_81 = arith.constant 0 : i32
      %dma_start3A_82 = tpu.memref_slice %arg2[%dma_start3A_80, %dma_start3A_81] : memref<37440x128xf32, #tpu.memory_space<hbm>> -> memref<37440x128xf32, #tpu.memory_space<hbm>>
      tpu.enqueue_indirect_dma source(%dma_start3A_82 : memref<37440x128xf32, #tpu.memory_space<hbm>>) target(%arg8 : memref<16x128xf32, #tpu.memory_space<vmem>>) offsets(%add3A_69 : vector<16xi32>) semaphore(%arg17 : memref<!tpu.dma_semaphore, #tpu.memory_space<semaphore_mem>>)
      %dma_start3A_83 = arith.constant 0 : i32
      %dma_start3A_84 = arith.constant 0 : i32
      %dma_start3A_85 = tpu.memref_slice %arg2[%dma_start3A_83, %dma_start3A_84] : memref<37440x128xf32, #tpu.memory_space<hbm>> -> memref<37440x128xf32, #tpu.memory_space<hbm>>
      tpu.enqueue_indirect_dma source(%dma_start3A_85 : memref<37440x128xf32, #tpu.memory_space<hbm>>) target(%arg9 : memref<16x128xf32, #tpu.memory_space<vmem>>) offsets(%add3A_74 : vector<16xi32>) semaphore(%arg18 : memref<!tpu.dma_semaphore, #tpu.memory_space<semaphore_mem>>)
      %add3A_86 = arith.constant 18720 : i32
      %add3A_87 = vector.broadcast %add3A_86 : i32 to vector<16xi32>
      %add3A_88 = arith.addi %add3A_59, %add3A_87 : vector<16xi32>
      %dma_start3A_89 = arith.constant 0 : i32
      %dma_start3A_90 = arith.constant 0 : i32
      %dma_start3A_91 = tpu.memref_slice %arg2[%dma_start3A_89, %dma_start3A_90] : memref<37440x128xf32, #tpu.memory_space<hbm>> -> memref<37440x128xf32, #tpu.memory_space<hbm>>
      tpu.enqueue_indirect_dma source(%dma_start3A_91 : memref<37440x128xf32, #tpu.memory_space<hbm>>) target(%arg10 : memref<16x128xf32, #tpu.memory_space<vmem>>) offsets(%add3A_88 : vector<16xi32>) semaphore(%arg19 : memref<!tpu.dma_semaphore, #tpu.memory_space<semaphore_mem>>)
      %add3A_92 = arith.constant 18720 : i32
      %add3A_93 = vector.broadcast %add3A_92 : i32 to vector<16xi32>
      %add3A_94 = arith.addi %add3A_64, %add3A_93 : vector<16xi32>
      %dma_start3A_95 = arith.constant 0 : i32
      %dma_start3A_96 = arith.constant 0 : i32
      %dma_start3A_97 = tpu.memref_slice %arg2[%dma_start3A_95, %dma_start3A_96] : memref<37440x128xf32, #tpu.memory_space<hbm>> -> memref<37440x128xf32, #tpu.memory_space<hbm>>
      tpu.enqueue_indirect_dma source(%dma_start3A_97 : memref<37440x128xf32, #tpu.memory_space<hbm>>) target(%arg11 : memref<16x128xf32, #tpu.memory_space<vmem>>) offsets(%add3A_94 : vector<16xi32>) semaphore(%arg20 : memref<!tpu.dma_semaphore, #tpu.memory_space<semaphore_mem>>)
      %add3A_98 = arith.constant 18720 : i32
      %add3A_99 = vector.broadcast %add3A_98 : i32 to vector<16xi32>
      %add3A_100 = arith.addi %add3A_69, %add3A_99 : vector<16xi32>
      %dma_start3A_101 = arith.constant 0 : i32
      %dma_start3A_102 = arith.constant 0 : i32
      %dma_start3A_103 = tpu.memref_slice %arg2[%dma_start3A_101, %dma_start3A_102] : memref<37440x128xf32, #tpu.memory_space<hbm>> -> memref<37440x128xf32, #tpu.memory_space<hbm>>
      tpu.enqueue_indirect_dma source(%dma_start3A_103 : memref<37440x128xf32, #tpu.memory_space<hbm>>) target(%arg12 : memref<16x128xf32, #tpu.memory_space<vmem>>) offsets(%add3A_100 : vector<16xi32>) semaphore(%arg21 : memref<!tpu.dma_semaphore, #tpu.memory_space<semaphore_mem>>)
      %add3A_104 = arith.constant 18720 : i32
      %add3A_105 = vector.broadcast %add3A_104 : i32 to vector<16xi32>
      %add3A_106 = arith.addi %add3A_74, %add3A_105 : vector<16xi32>
      %dma_start3A_107 = arith.constant 0 : i32
      %dma_start3A_108 = arith.constant 0 : i32
      %dma_start3A_109 = tpu.memref_slice %arg2[%dma_start3A_107, %dma_start3A_108] : memref<37440x128xf32, #tpu.memory_space<hbm>> -> memref<37440x128xf32, #tpu.memory_space<hbm>>
      tpu.enqueue_indirect_dma source(%dma_start3A_109 : memref<37440x128xf32, #tpu.memory_space<hbm>>) target(%arg13 : memref<16x128xf32, #tpu.memory_space<vmem>>) offsets(%add3A_106 : vector<16xi32>) semaphore(%arg22 : memref<!tpu.dma_semaphore, #tpu.memory_space<semaphore_mem>>)
      %dma_wait3A = arith.constant 0 : i32
      %dma_wait3A_110 = arith.constant 0 : i32
      %dma_wait3A_111 = tpu.memref_slice %arg2[%dma_wait3A, %dma_wait3A_110] : memref<37440x128xf32, #tpu.memory_space<hbm>> -> memref<37440x128xf32, #tpu.memory_space<hbm>>
      tpu.wait_indirect_dma semaphore(%arg15 : memref<!tpu.dma_semaphore, #tpu.memory_space<semaphore_mem>>) src(%dma_wait3A_111 : memref<37440x128xf32, #tpu.memory_space<hbm>>) dst(%arg6 : memref<16x128xf32, #tpu.memory_space<vmem>>)
      %dma_wait3A_112 = arith.constant 0 : i32
      %dma_wait3A_113 = arith.constant 0 : i32
      %dma_wait3A_114 = tpu.memref_slice %arg2[%dma_wait3A_112, %dma_wait3A_113] : memref<37440x128xf32, #tpu.memory_space<hbm>> -> memref<37440x128xf32, #tpu.memory_space<hbm>>
      tpu.wait_indirect_dma semaphore(%arg16 : memref<!tpu.dma_semaphore, #tpu.memory_space<semaphore_mem>>) src(%dma_wait3A_114 : memref<37440x128xf32, #tpu.memory_space<hbm>>) dst(%arg7 : memref<16x128xf32, #tpu.memory_space<vmem>>)
      %dma_wait3A_115 = arith.constant 0 : i32
      %dma_wait3A_116 = arith.constant 0 : i32
      %dma_wait3A_117 = tpu.memref_slice %arg2[%dma_wait3A_115, %dma_wait3A_116] : memref<37440x128xf32, #tpu.memory_space<hbm>> -> memref<37440x128xf32, #tpu.memory_space<hbm>>
      tpu.wait_indirect_dma semaphore(%arg17 : memref<!tpu.dma_semaphore, #tpu.memory_space<semaphore_mem>>) src(%dma_wait3A_117 : memref<37440x128xf32, #tpu.memory_space<hbm>>) dst(%arg8 : memref<16x128xf32, #tpu.memory_space<vmem>>)
      %dma_wait3A_118 = arith.constant 0 : i32
      %dma_wait3A_119 = arith.constant 0 : i32
      %dma_wait3A_120 = tpu.memref_slice %arg2[%dma_wait3A_118, %dma_wait3A_119] : memref<37440x128xf32, #tpu.memory_space<hbm>> -> memref<37440x128xf32, #tpu.memory_space<hbm>>
      tpu.wait_indirect_dma semaphore(%arg18 : memref<!tpu.dma_semaphore, #tpu.memory_space<semaphore_mem>>) src(%dma_wait3A_120 : memref<37440x128xf32, #tpu.memory_space<hbm>>) dst(%arg9 : memref<16x128xf32, #tpu.memory_space<vmem>>)
      %dma_wait3A_121 = arith.constant 0 : i32
      %dma_wait3A_122 = arith.constant 0 : i32
      %dma_wait3A_123 = tpu.memref_slice %arg2[%dma_wait3A_121, %dma_wait3A_122] : memref<37440x128xf32, #tpu.memory_space<hbm>> -> memref<37440x128xf32, #tpu.memory_space<hbm>>
      tpu.wait_indirect_dma semaphore(%arg19 : memref<!tpu.dma_semaphore, #tpu.memory_space<semaphore_mem>>) src(%dma_wait3A_123 : memref<37440x128xf32, #tpu.memory_space<hbm>>) dst(%arg10 : memref<16x128xf32, #tpu.memory_space<vmem>>)
      %dma_wait3A_124 = arith.constant 0 : i32
      %dma_wait3A_125 = arith.constant 0 : i32
      %dma_wait3A_126 = tpu.memref_slice %arg2[%dma_wait3A_124, %dma_wait3A_125] : memref<37440x128xf32, #tpu.memory_space<hbm>> -> memref<37440x128xf32, #tpu.memory_space<hbm>>
      tpu.wait_indirect_dma semaphore(%arg20 : memref<!tpu.dma_semaphore, #tpu.memory_space<semaphore_mem>>) src(%dma_wait3A_126 : memref<37440x128xf32, #tpu.memory_space<hbm>>) dst(%arg11 : memref<16x128xf32, #tpu.memory_space<vmem>>)
      %dma_wait3A_127 = arith.constant 0 : i32
      %dma_wait3A_128 = arith.constant 0 : i32
      %dma_wait3A_129 = tpu.memref_slice %arg2[%dma_wait3A_127, %dma_wait3A_128] : memref<37440x128xf32, #tpu.memory_space<hbm>> -> memref<37440x128xf32, #tpu.memory_space<hbm>>
      tpu.wait_indirect_dma semaphore(%arg21 : memref<!tpu.dma_semaphore, #tpu.memory_space<semaphore_mem>>) src(%dma_wait3A_129 : memref<37440x128xf32, #tpu.memory_space<hbm>>) dst(%arg12 : memref<16x128xf32, #tpu.memory_space<vmem>>)
      %dma_wait3A_130 = arith.constant 0 : i32
      %dma_wait3A_131 = arith.constant 0 : i32
      %dma_wait3A_132 = tpu.memref_slice %arg2[%dma_wait3A_130, %dma_wait3A_131] : memref<37440x128xf32, #tpu.memory_space<hbm>> -> memref<37440x128xf32, #tpu.memory_space<hbm>>
      tpu.wait_indirect_dma semaphore(%arg22 : memref<!tpu.dma_semaphore, #tpu.memory_space<semaphore_mem>>) src(%dma_wait3A_132 : memref<37440x128xf32, #tpu.memory_space<hbm>>) dst(%arg13 : memref<16x128xf32, #tpu.memory_space<vmem>>)
      %scan3A = arith.constant 0 : i32
      %scan3A_133 = arith.constant 0 : i32
      %scan3A_134 = arith.constant 16 : i32
      %scan3A_135 = arith.addi %scan3A_133, %scan3A_134 : i32
      %scan3A_136 = arith.constant 1 : i32
      scf.for %scan3A_138 = %scan3A_133 to %scan3A_135 step %scan3A_136  : i32 {
        %get3A_139 = arith.index_cast %scan3A_138 : i32 to index
        %get3A_140 = arith.constant 0 : index
        %get3A_141 = tpu.vector_load %arg6[%get3A_139, %get3A_140] {strides = array<i32>} : memref<16x128xf32, #tpu.memory_space<vmem>>, vector<1x16xf32>,
        %get3A_142 = vector.shape_cast %get3A_141 : vector<1x16xf32> to vector<16xf32>
        %get3A_143 = arith.index_cast %scan3A_138 : i32 to index
        %get3A_144 = arith.constant 0 : index
        %get3A_145 = tpu.vector_load %arg7[%get3A_143, %get3A_144] {strides = array<i32>} : memref<16x128xf32, #tpu.memory_space<vmem>>, vector<1x16xf32>,
        %get3A_146 = vector.shape_cast %get3A_145 : vector<1x16xf32> to vector<16xf32>
        %sub3A = arith.subf %get3A_142, %get3A_146 : vector<16xf32>
        %get3A_147 = arith.index_cast %scan3A_138 : i32 to index
        %get3A_148 = arith.constant 0 : index
        %get3A_149 = tpu.vector_load %arg8[%get3A_147, %get3A_148] {strides = array<i32>} : memref<16x128xf32, #tpu.memory_space<vmem>>, vector<1x16xf32>,
        %get3A_150 = vector.shape_cast %get3A_149 : vector<1x16xf32> to vector<16xf32>
        %sub3A_151 = arith.subf %sub3A, %get3A_150 : vector<16xf32>
        %get3A_152 = arith.index_cast %scan3A_138 : i32 to index
        %get3A_153 = arith.constant 0 : index
        %get3A_154 = tpu.vector_load %arg9[%get3A_152, %get3A_153] {strides = array<i32>} : memref<16x128xf32, #tpu.memory_space<vmem>>, vector<1x16xf32>,
        %get3A_155 = vector.shape_cast %get3A_154 : vector<1x16xf32> to vector<16xf32>
        %add3A_156 = arith.addf %sub3A_151, %get3A_155 : vector<16xf32>
        %swap3A = arith.index_cast %scan3A_138 : i32 to index
        %swap3A_157 = arith.constant 0 : index
        %swap3A_158 = tpu.vector_load %arg14[%swap3A, %swap3A_157] {strides = array<i32>} : memref<16x256xf32, #tpu.memory_space<vmem>>, vector<1x16xf32>,
        %swap3A_159 = vector.shape_cast %swap3A_158 : vector<1x16xf32> to vector<16xf32>
        %swap3A_160 = vector.shape_cast %add3A_156 : vector<16xf32> to vector<1x16xf32>
        tpu.vector_store %arg14[%swap3A, %swap3A_157], %swap3A_160 {strides = array<i32>} : memref<16x256xf32, #tpu.memory_space<vmem>>, vector<1x16xf32>,
        %get3A_161 = arith.index_cast %scan3A_138 : i32 to index
        %get3A_162 = arith.constant 16 : index
        %get3A_163 = tpu.vector_load %arg6[%get3A_161, %get3A_162] {strides = array<i32>} : memref<16x128xf32, #tpu.memory_space<vmem>>, vector<1x16xf32>,
        %get3A_164 = vector.shape_cast %get3A_163 : vector<1x16xf32> to vector<16xf32>
        %get3A_165 = arith.index_cast %scan3A_138 : i32 to index
        %get3A_166 = arith.constant 16 : index
        %get3A_167 = tpu.vector_load %arg7[%get3A_165, %get3A_166] {strides = array<i32>} : memref<16x128xf32, #tpu.memory_space<vmem>>, vector<1x16xf32>,
        %get3A_168 = vector.shape_cast %get3A_167 : vector<1x16xf32> to vector<16xf32>
        %sub3A_169 = arith.subf %get3A_164, %get3A_168 : vector<16xf32>
        %get3A_170 = arith.index_cast %scan3A_138 : i32 to index
        %get3A_171 = arith.constant 16 : index
        %get3A_172 = tpu.vector_load %arg8[%get3A_170, %get3A_171] {strides = array<i32>} : memref<16x128xf32, #tpu.memory_space<vmem>>, vector<1x16xf32>,
        %get3A_173 = vector.shape_cast %get3A_172 : vector<1x16xf32> to vector<16xf32>
        %sub3A_174 = arith.subf %sub3A_169, %get3A_173 : vector<16xf32>
        %get3A_175 = arith.index_cast %scan3A_138 : i32 to index
        %get3A_176 = arith.constant 16 : index
        %get3A_177 = tpu.vector_load %arg9[%get3A_175, %get3A_176] {strides = array<i32>} : memref<16x128xf32, #tpu.memory_space<vmem>>, vector<1x16xf32>,
        %get3A_178 = vector.shape_cast %get3A_177 : vector<1x16xf32> to vector<16xf32>
        %add3A_179 = arith.addf %sub3A_174, %get3A_178 : vector<16xf32>
        %swap3A_180 = arith.index_cast %scan3A_138 : i32 to index
        %swap3A_181 = arith.constant 16 : index
        %swap3A_182 = tpu.vector_load %arg14[%swap3A_180, %swap3A_181] {strides = array<i32>} : memref<16x256xf32, #tpu.memory_space<vmem>>, vector<1x16xf32>,
        %swap3A_183 = vector.shape_cast %swap3A_182 : vector<1x16xf32> to vector<16xf32>
        %swap3A_184 = vector.shape_cast %add3A_179 : vector<16xf32> to vector<1x16xf32>
        tpu.vector_store %arg14[%swap3A_180, %swap3A_181], %swap3A_184 {strides = array<i32>} : memref<16x256xf32, #tpu.memory_space<vmem>>, vector<1x16xf32>,
        %get3A_185 = arith.index_cast %scan3A_138 : i32 to index
        %get3A_186 = arith.constant 32 : index
        %get3A_187 = tpu.vector_load %arg6[%get3A_185, %get3A_186] {strides = array<i32>} : memref<16x128xf32, #tpu.memory_space<vmem>>, vector<1x16xf32>,
        %get3A_188 = vector.shape_cast %get3A_187 : vector<1x16xf32> to vector<16xf32>
        %get3A_189 = arith.index_cast %scan3A_138 : i32 to index
        %get3A_190 = arith.constant 32 : index
        %get3A_191 = tpu.vector_load %arg7[%get3A_189, %get3A_190] {strides = array<i32>} : memref<16x128xf32, #tpu.memory_space<vmem>>, vector<1x16xf32>,
        %get3A_192 = vector.shape_cast %get3A_191 : vector<1x16xf32> to vector<16xf32>
        %sub3A_193 = arith.subf %get3A_188, %get3A_192 : vector<16xf32>
        %get3A_194 = arith.index_cast %scan3A_138 : i32 to index
        %get3A_195 = arith.constant 32 : index
        %get3A_196 = tpu.vector_load %arg8[%get3A_194, %get3A_195] {strides = array<i32>} : memref<16x128xf32, #tpu.memory_space<vmem>>, vector<1x16xf32>,
        %get3A_197 = vector.shape_cast %get3A_196 : vector<1x16xf32> to vector<16xf32>
        %sub3A_198 = arith.subf %sub3A_193, %get3A_197 : vector<16xf32>
        %get3A_199 = arith.index_cast %scan3A_138 : i32 to index
        %get3A_200 = arith.constant 32 : index
        %get3A_201 = tpu.vector_load %arg9[%get3A_199, %get3A_200] {strides = array<i32>} : memref<16x128xf32, #tpu.memory_space<vmem>>, vector<1x16xf32>,
        %get3A_202 = vector.shape_cast %get3A_201 : vector<1x16xf32> to vector<16xf32>
        %add3A_203 = arith.addf %sub3A_198, %get3A_202 : vector<16xf32>
        %swap3A_204 = arith.index_cast %scan3A_138 : i32 to index
        %swap3A_205 = arith.constant 32 : index
        %swap3A_206 = tpu.vector_load %arg14[%swap3A_204, %swap3A_205] {strides = array<i32>} : memref<16x256xf32, #tpu.memory_space<vmem>>, vector<1x16xf32>,
        %swap3A_207 = vector.shape_cast %swap3A_206 : vector<1x16xf32> to vector<16xf32>
        %swap3A_208 = vector.shape_cast %add3A_203 : vector<16xf32> to vector<1x16xf32>
        tpu.vector_store %arg14[%swap3A_204, %swap3A_205], %swap3A_208 {strides = array<i32>} : memref<16x256xf32, #tpu.memory_space<vmem>>, vector<1x16xf32>,
        %get3A_209 = arith.index_cast %scan3A_138 : i32 to index
        %get3A_210 = arith.constant 48 : index
        %get3A_211 = tpu.vector_load %arg6[%get3A_209, %get3A_210] {strides = array<i32>} : memref<16x128xf32, #tpu.memory_space<vmem>>, vector<1x16xf32>,
        %get3A_212 = vector.shape_cast %get3A_211 : vector<1x16xf32> to vector<16xf32>
        %get3A_213 = arith.index_cast %scan3A_138 : i32 to index
        %get3A_214 = arith.constant 48 : index
        %get3A_215 = tpu.vector_load %arg7[%get3A_213, %get3A_214] {strides = array<i32>} : memref<16x128xf32, #tpu.memory_space<vmem>>, vector<1x16xf32>,
        %get3A_216 = vector.shape_cast %get3A_215 : vector<1x16xf32> to vector<16xf32>
        %sub3A_217 = arith.subf %get3A_212, %get3A_216 : vector<16xf32>
        %get3A_218 = arith.index_cast %scan3A_138 : i32 to index
        %get3A_219 = arith.constant 48 : index
        %get3A_220 = tpu.vector_load %arg8[%get3A_218, %get3A_219] {strides = array<i32>} : memref<16x128xf32, #tpu.memory_space<vmem>>, vector<1x16xf32>,
        %get3A_221 = vector.shape_cast %get3A_220 : vector<1x16xf32> to vector<16xf32>
        %sub3A_222 = arith.subf %sub3A_217, %get3A_221 : vector<16xf32>
        %get3A_223 = arith.index_cast %scan3A_138 : i32 to index
        %get3A_224 = arith.constant 48 : index
        %get3A_225 = tpu.vector_load %arg9[%get3A_223, %get3A_224] {strides = array<i32>} : memref<16x128xf32, #tpu.memory_space<vmem>>, vector<1x16xf32>,
        %get3A_226 = vector.shape_cast %get3A_225 : vector<1x16xf32> to vector<16xf32>
        %add3A_227 = arith.addf %sub3A_222, %get3A_226 : vector<16xf32>
        %swap3A_228 = arith.index_cast %scan3A_138 : i32 to index
        %swap3A_229 = arith.constant 48 : index
        %swap3A_230 = tpu.vector_load %arg14[%swap3A_228, %swap3A_229] {strides = array<i32>} : memref<16x256xf32, #tpu.memory_space<vmem>>, vector<1x16xf32>,
        %swap3A_231 = vector.shape_cast %swap3A_230 : vector<1x16xf32> to vector<16xf32>
        %swap3A_232 = vector.shape_cast %add3A_227 : vector<16xf32> to vector<1x16xf32>
        tpu.vector_store %arg14[%swap3A_228, %swap3A_229], %swap3A_232 {strides = array<i32>} : memref<16x256xf32, #tpu.memory_space<vmem>>, vector<1x16xf32>,
        %get3A_233 = arith.index_cast %scan3A_138 : i32 to index
        %get3A_234 = arith.constant 64 : index
        %get3A_235 = tpu.vector_load %arg6[%get3A_233, %get3A_234] {strides = array<i32>} : memref<16x128xf32, #tpu.memory_space<vmem>>, vector<1x16xf32>,
        %get3A_236 = vector.shape_cast %get3A_235 : vector<1x16xf32> to vector<16xf32>
        %get3A_237 = arith.index_cast %scan3A_138 : i32 to index
        %get3A_238 = arith.constant 64 : index
        %get3A_239 = tpu.vector_load %arg7[%get3A_237, %get3A_238] {strides = array<i32>} : memref<16x128xf32, #tpu.memory_space<vmem>>, vector<1x16xf32>,
        %get3A_240 = vector.shape_cast %get3A_239 : vector<1x16xf32> to vector<16xf32>
        %sub3A_241 = arith.subf %get3A_236, %get3A_240 : vector<16xf32>
        %get3A_242 = arith.index_cast %scan3A_138 : i32 to index
        %get3A_243 = arith.constant 64 : index
        %get3A_244 = tpu.vector_load %arg8[%get3A_242, %get3A_243] {strides = array<i32>} : memref<16x128xf32, #tpu.memory_space<vmem>>, vector<1x16xf32>,
        %get3A_245 = vector.shape_cast %get3A_244 : vector<1x16xf32> to vector<16xf32>
        %sub3A_246 = arith.subf %sub3A_241, %get3A_245 : vector<16xf32>
        %get3A_247 = arith.index_cast %scan3A_138 : i32 to index
        %get3A_248 = arith.constant 64 : index
        %get3A_249 = tpu.vector_load %arg9[%get3A_247, %get3A_248] {strides = array<i32>} : memref<16x128xf32, #tpu.memory_space<vmem>>, vector<1x16xf32>,
        %get3A_250 = vector.shape_cast %get3A_249 : vector<1x16xf32> to vector<16xf32>
        %add3A_251 = arith.addf %sub3A_246, %get3A_250 : vector<16xf32>
        %swap3A_252 = arith.index_cast %scan3A_138 : i32 to index
        %swap3A_253 = arith.constant 64 : index
        %swap3A_254 = tpu.vector_load %arg14[%swap3A_252, %swap3A_253] {strides = array<i32>} : memref<16x256xf32, #tpu.memory_space<vmem>>, vector<1x16xf32>,
        %swap3A_255 = vector.shape_cast %swap3A_254 : vector<1x16xf32> to vector<16xf32>
        %swap3A_256 = vector.shape_cast %add3A_251 : vector<16xf32> to vector<1x16xf32>
        tpu.vector_store %arg14[%swap3A_252, %swap3A_253], %swap3A_256 {strides = array<i32>} : memref<16x256xf32, #tpu.memory_space<vmem>>, vector<1x16xf32>,
        %get3A_257 = arith.index_cast %scan3A_138 : i32 to index
        %get3A_258 = arith.constant 80 : index
        %get3A_259 = tpu.vector_load %arg6[%get3A_257, %get3A_258] {strides = array<i32>} : memref<16x128xf32, #tpu.memory_space<vmem>>, vector<1x16xf32>,
        %get3A_260 = vector.shape_cast %get3A_259 : vector<1x16xf32> to vector<16xf32>
        %get3A_261 = arith.index_cast %scan3A_138 : i32 to index
        %get3A_262 = arith.constant 80 : index
        %get3A_263 = tpu.vector_load %arg7[%get3A_261, %get3A_262] {strides = array<i32>} : memref<16x128xf32, #tpu.memory_space<vmem>>, vector<1x16xf32>,
        %get3A_264 = vector.shape_cast %get3A_263 : vector<1x16xf32> to vector<16xf32>
        %sub3A_265 = arith.subf %get3A_260, %get3A_264 : vector<16xf32>
        %get3A_266 = arith.index_cast %scan3A_138 : i32 to index
        %get3A_267 = arith.constant 80 : index
        %get3A_268 = tpu.vector_load %arg8[%get3A_266, %get3A_267] {strides = array<i32>} : memref<16x128xf32, #tpu.memory_space<vmem>>, vector<1x16xf32>,
        %get3A_269 = vector.shape_cast %get3A_268 : vector<1x16xf32> to vector<16xf32>
        %sub3A_270 = arith.subf %sub3A_265, %get3A_269 : vector<16xf32>
        %get3A_271 = arith.index_cast %scan3A_138 : i32 to index
        %get3A_272 = arith.constant 80 : index
        %get3A_273 = tpu.vector_load %arg9[%get3A_271, %get3A_272] {strides = array<i32>} : memref<16x128xf32, #tpu.memory_space<vmem>>, vector<1x16xf32>,
        %get3A_274 = vector.shape_cast %get3A_273 : vector<1x16xf32> to vector<16xf32>
        %add3A_275 = arith.addf %sub3A_270, %get3A_274 : vector<16xf32>
        %swap3A_276 = arith.index_cast %scan3A_138 : i32 to index
        %swap3A_277 = arith.constant 80 : index
        %swap3A_278 = tpu.vector_load %arg14[%swap3A_276, %swap3A_277] {strides = array<i32>} : memref<16x256xf32, #tpu.memory_space<vmem>>, vector<1x16xf32>,
        %swap3A_279 = vector.shape_cast %swap3A_278 : vector<1x16xf32> to vector<16xf32>
        %swap3A_280 = vector.shape_cast %add3A_275 : vector<16xf32> to vector<1x16xf32>
        tpu.vector_store %arg14[%swap3A_276, %swap3A_277], %swap3A_280 {strides = array<i32>} : memref<16x256xf32, #tpu.memory_space<vmem>>, vector<1x16xf32>,
        %get3A_281 = arith.index_cast %scan3A_138 : i32 to index
        %get3A_282 = arith.constant 96 : index
        %get3A_283 = tpu.vector_load %arg6[%get3A_281, %get3A_282] {strides = array<i32>} : memref<16x128xf32, #tpu.memory_space<vmem>>, vector<1x16xf32>,
        %get3A_284 = vector.shape_cast %get3A_283 : vector<1x16xf32> to vector<16xf32>
        %get3A_285 = arith.index_cast %scan3A_138 : i32 to index
        %get3A_286 = arith.constant 96 : index
        %get3A_287 = tpu.vector_load %arg7[%get3A_285, %get3A_286] {strides = array<i32>} : memref<16x128xf32, #tpu.memory_space<vmem>>, vector<1x16xf32>,
        %get3A_288 = vector.shape_cast %get3A_287 : vector<1x16xf32> to vector<16xf32>
        %sub3A_289 = arith.subf %get3A_284, %get3A_288 : vector<16xf32>
        %get3A_290 = arith.index_cast %scan3A_138 : i32 to index
        %get3A_291 = arith.constant 96 : index
        %get3A_292 = tpu.vector_load %arg8[%get3A_290, %get3A_291] {strides = array<i32>} : memref<16x128xf32, #tpu.memory_space<vmem>>, vector<1x16xf32>,
        %get3A_293 = vector.shape_cast %get3A_292 : vector<1x16xf32> to vector<16xf32>
        %sub3A_294 = arith.subf %sub3A_289, %get3A_293 : vector<16xf32>
        %get3A_295 = arith.index_cast %scan3A_138 : i32 to index
        %get3A_296 = arith.constant 96 : index
        %get3A_297 = tpu.vector_load %arg9[%get3A_295, %get3A_296] {strides = array<i32>} : memref<16x128xf32, #tpu.memory_space<vmem>>, vector<1x16xf32>,
        %get3A_298 = vector.shape_cast %get3A_297 : vector<1x16xf32> to vector<16xf32>
        %add3A_299 = arith.addf %sub3A_294, %get3A_298 : vector<16xf32>
        %swap3A_300 = arith.index_cast %scan3A_138 : i32 to index
        %swap3A_301 = arith.constant 96 : index
        %swap3A_302 = tpu.vector_load %arg14[%swap3A_300, %swap3A_301] {strides = array<i32>} : memref<16x256xf32, #tpu.memory_space<vmem>>, vector<1x16xf32>,
        %swap3A_303 = vector.shape_cast %swap3A_302 : vector<1x16xf32> to vector<16xf32>
        %swap3A_304 = vector.shape_cast %add3A_299 : vector<16xf32> to vector<1x16xf32>
        tpu.vector_store %arg14[%swap3A_300, %swap3A_301], %swap3A_304 {strides = array<i32>} : memref<16x256xf32, #tpu.memory_space<vmem>>, vector<1x16xf32>,
        %get3A_305 = arith.index_cast %scan3A_138 : i32 to index
        %get3A_306 = arith.constant 112 : index
        %get3A_307 = tpu.vector_load %arg6[%get3A_305, %get3A_306] {strides = array<i32>} : memref<16x128xf32, #tpu.memory_space<vmem>>, vector<1x16xf32>,
        %get3A_308 = vector.shape_cast %get3A_307 : vector<1x16xf32> to vector<16xf32>
        %get3A_309 = arith.index_cast %scan3A_138 : i32 to index
        %get3A_310 = arith.constant 112 : index
        %get3A_311 = tpu.vector_load %arg7[%get3A_309, %get3A_310] {strides = array<i32>} : memref<16x128xf32, #tpu.memory_space<vmem>>, vector<1x16xf32>,
        %get3A_312 = vector.shape_cast %get3A_311 : vector<1x16xf32> to vector<16xf32>
        %sub3A_313 = arith.subf %get3A_308, %get3A_312 : vector<16xf32>
        %get3A_314 = arith.index_cast %scan3A_138 : i32 to index
        %get3A_315 = arith.constant 112 : index
        %get3A_316 = tpu.vector_load %arg8[%get3A_314, %get3A_315] {strides = array<i32>} : memref<16x128xf32, #tpu.memory_space<vmem>>, vector<1x16xf32>,
        %get3A_317 = vector.shape_cast %get3A_316 : vector<1x16xf32> to vector<16xf32>
        %sub3A_318 = arith.subf %sub3A_313, %get3A_317 : vector<16xf32>
        %get3A_319 = arith.index_cast %scan3A_138 : i32 to index
        %get3A_320 = arith.constant 112 : index
        %get3A_321 = tpu.vector_load %arg9[%get3A_319, %get3A_320] {strides = array<i32>} : memref<16x128xf32, #tpu.memory_space<vmem>>, vector<1x16xf32>,
        %get3A_322 = vector.shape_cast %get3A_321 : vector<1x16xf32> to vector<16xf32>
        %add3A_323 = arith.addf %sub3A_318, %get3A_322 : vector<16xf32>
        %swap3A_324 = arith.index_cast %scan3A_138 : i32 to index
        %swap3A_325 = arith.constant 112 : index
        %swap3A_326 = tpu.vector_load %arg14[%swap3A_324, %swap3A_325] {strides = array<i32>} : memref<16x256xf32, #tpu.memory_space<vmem>>, vector<1x16xf32>,
        %swap3A_327 = vector.shape_cast %swap3A_326 : vector<1x16xf32> to vector<16xf32>
        %swap3A_328 = vector.shape_cast %add3A_323 : vector<16xf32> to vector<1x16xf32>
        tpu.vector_store %arg14[%swap3A_324, %swap3A_325], %swap3A_328 {strides = array<i32>} : memref<16x256xf32, #tpu.memory_space<vmem>>, vector<1x16xf32>,
        %get3A_329 = arith.index_cast %scan3A_138 : i32 to index
        %get3A_330 = arith.constant 0 : index
        %get3A_331 = tpu.vector_load %arg10[%get3A_329, %get3A_330] {strides = array<i32>} : memref<16x128xf32, #tpu.memory_space<vmem>>, vector<1x16xf32>,
        %get3A_332 = vector.shape_cast %get3A_331 : vector<1x16xf32> to vector<16xf32>
        %get3A_333 = arith.index_cast %scan3A_138 : i32 to index
        %get3A_334 = arith.constant 0 : index
        %get3A_335 = tpu.vector_load %arg11[%get3A_333, %get3A_334] {strides = array<i32>} : memref<16x128xf32, #tpu.memory_space<vmem>>, vector<1x16xf32>,
        %get3A_336 = vector.shape_cast %get3A_335 : vector<1x16xf32> to vector<16xf32>
        %sub3A_337 = arith.subf %get3A_332, %get3A_336 : vector<16xf32>
        %get3A_338 = arith.index_cast %scan3A_138 : i32 to index
        %get3A_339 = arith.constant 0 : index
        %get3A_340 = tpu.vector_load %arg12[%get3A_338, %get3A_339] {strides = array<i32>} : memref<16x128xf32, #tpu.memory_space<vmem>>, vector<1x16xf32>,
        %get3A_341 = vector.shape_cast %get3A_340 : vector<1x16xf32> to vector<16xf32>
        %sub3A_342 = arith.subf %sub3A_337, %get3A_341 : vector<16xf32>
        %get3A_343 = arith.index_cast %scan3A_138 : i32 to index
        %get3A_344 = arith.constant 0 : index
        %get3A_345 = tpu.vector_load %arg13[%get3A_343, %get3A_344] {strides = array<i32>} : memref<16x128xf32, #tpu.memory_space<vmem>>, vector<1x16xf32>,
        %get3A_346 = vector.shape_cast %get3A_345 : vector<1x16xf32> to vector<16xf32>
        %add3A_347 = arith.addf %sub3A_342, %get3A_346 : vector<16xf32>
        %swap3A_348 = arith.index_cast %scan3A_138 : i32 to index
        %swap3A_349 = arith.constant 128 : index
        %swap3A_350 = tpu.vector_load %arg14[%swap3A_348, %swap3A_349] {strides = array<i32>} : memref<16x256xf32, #tpu.memory_space<vmem>>, vector<1x16xf32>,
        %swap3A_351 = vector.shape_cast %swap3A_350 : vector<1x16xf32> to vector<16xf32>
        %swap3A_352 = vector.shape_cast %add3A_347 : vector<16xf32> to vector<1x16xf32>
        tpu.vector_store %arg14[%swap3A_348, %swap3A_349], %swap3A_352 {strides = array<i32>} : memref<16x256xf32, #tpu.memory_space<vmem>>, vector<1x16xf32>,
        %get3A_353 = arith.index_cast %scan3A_138 : i32 to index
        %get3A_354 = arith.constant 16 : index
        %get3A_355 = tpu.vector_load %arg10[%get3A_353, %get3A_354] {strides = array<i32>} : memref<16x128xf32, #tpu.memory_space<vmem>>, vector<1x16xf32>,
        %get3A_356 = vector.shape_cast %get3A_355 : vector<1x16xf32> to vector<16xf32>
        %get3A_357 = arith.index_cast %scan3A_138 : i32 to index
        %get3A_358 = arith.constant 16 : index
        %get3A_359 = tpu.vector_load %arg11[%get3A_357, %get3A_358] {strides = array<i32>} : memref<16x128xf32, #tpu.memory_space<vmem>>, vector<1x16xf32>,
        %get3A_360 = vector.shape_cast %get3A_359 : vector<1x16xf32> to vector<16xf32>
        %sub3A_361 = arith.subf %get3A_356, %get3A_360 : vector<16xf32>
        %get3A_362 = arith.index_cast %scan3A_138 : i32 to index
        %get3A_363 = arith.constant 16 : index
        %get3A_364 = tpu.vector_load %arg12[%get3A_362, %get3A_363] {strides = array<i32>} : memref<16x128xf32, #tpu.memory_space<vmem>>, vector<1x16xf32>,
        %get3A_365 = vector.shape_cast %get3A_364 : vector<1x16xf32> to vector<16xf32>
        %sub3A_366 = arith.subf %sub3A_361, %get3A_365 : vector<16xf32>
        %get3A_367 = arith.index_cast %scan3A_138 : i32 to index
        %get3A_368 = arith.constant 16 : index
        %get3A_369 = tpu.vector_load %arg13[%get3A_367, %get3A_368] {strides = array<i32>} : memref<16x128xf32, #tpu.memory_space<vmem>>, vector<1x16xf32>,
        %get3A_370 = vector.shape_cast %get3A_369 : vector<1x16xf32> to vector<16xf32>
        %add3A_371 = arith.addf %sub3A_366, %get3A_370 : vector<16xf32>
        %swap3A_372 = arith.index_cast %scan3A_138 : i32 to index
        %swap3A_373 = arith.constant 144 : index
        %swap3A_374 = tpu.vector_load %arg14[%swap3A_372, %swap3A_373] {strides = array<i32>} : memref<16x256xf32, #tpu.memory_space<vmem>>, vector<1x16xf32>,
        %swap3A_375 = vector.shape_cast %swap3A_374 : vector<1x16xf32> to vector<16xf32>
        %swap3A_376 = vector.shape_cast %add3A_371 : vector<16xf32> to vector<1x16xf32>
        tpu.vector_store %arg14[%swap3A_372, %swap3A_373], %swap3A_376 {strides = array<i32>} : memref<16x256xf32, #tpu.memory_space<vmem>>, vector<1x16xf32>,
        %get3A_377 = arith.index_cast %scan3A_138 : i32 to index
        %get3A_378 = arith.constant 32 : index
        %get3A_379 = tpu.vector_load %arg10[%get3A_377, %get3A_378] {strides = array<i32>} : memref<16x128xf32, #tpu.memory_space<vmem>>, vector<1x16xf32>,
        %get3A_380 = vector.shape_cast %get3A_379 : vector<1x16xf32> to vector<16xf32>
        %get3A_381 = arith.index_cast %scan3A_138 : i32 to index
        %get3A_382 = arith.constant 32 : index
        %get3A_383 = tpu.vector_load %arg11[%get3A_381, %get3A_382] {strides = array<i32>} : memref<16x128xf32, #tpu.memory_space<vmem>>, vector<1x16xf32>,
        %get3A_384 = vector.shape_cast %get3A_383 : vector<1x16xf32> to vector<16xf32>
        %sub3A_385 = arith.subf %get3A_380, %get3A_384 : vector<16xf32>
        %get3A_386 = arith.index_cast %scan3A_138 : i32 to index
        %get3A_387 = arith.constant 32 : index
        %get3A_388 = tpu.vector_load %arg12[%get3A_386, %get3A_387] {strides = array<i32>} : memref<16x128xf32, #tpu.memory_space<vmem>>, vector<1x16xf32>,
        %get3A_389 = vector.shape_cast %get3A_388 : vector<1x16xf32> to vector<16xf32>
        %sub3A_390 = arith.subf %sub3A_385, %get3A_389 : vector<16xf32>
        %get3A_391 = arith.index_cast %scan3A_138 : i32 to index
        %get3A_392 = arith.constant 32 : index
        %get3A_393 = tpu.vector_load %arg13[%get3A_391, %get3A_392] {strides = array<i32>} : memref<16x128xf32, #tpu.memory_space<vmem>>, vector<1x16xf32>,
        %get3A_394 = vector.shape_cast %get3A_393 : vector<1x16xf32> to vector<16xf32>
        %add3A_395 = arith.addf %sub3A_390, %get3A_394 : vector<16xf32>
        %swap3A_396 = arith.index_cast %scan3A_138 : i32 to index
        %swap3A_397 = arith.constant 160 : index
        %swap3A_398 = tpu.vector_load %arg14[%swap3A_396, %swap3A_397] {strides = array<i32>} : memref<16x256xf32, #tpu.memory_space<vmem>>, vector<1x16xf32>,
        %swap3A_399 = vector.shape_cast %swap3A_398 : vector<1x16xf32> to vector<16xf32>
        %swap3A_400 = vector.shape_cast %add3A_395 : vector<16xf32> to vector<1x16xf32>
        tpu.vector_store %arg14[%swap3A_396, %swap3A_397], %swap3A_400 {strides = array<i32>} : memref<16x256xf32, #tpu.memory_space<vmem>>, vector<1x16xf32>,
        %get3A_401 = arith.index_cast %scan3A_138 : i32 to index
        %get3A_402 = arith.constant 48 : index
        %get3A_403 = tpu.vector_load %arg10[%get3A_401, %get3A_402] {strides = array<i32>} : memref<16x128xf32, #tpu.memory_space<vmem>>, vector<1x16xf32>,
        %get3A_404 = vector.shape_cast %get3A_403 : vector<1x16xf32> to vector<16xf32>
        %get3A_405 = arith.index_cast %scan3A_138 : i32 to index
        %get3A_406 = arith.constant 48 : index
        %get3A_407 = tpu.vector_load %arg11[%get3A_405, %get3A_406] {strides = array<i32>} : memref<16x128xf32, #tpu.memory_space<vmem>>, vector<1x16xf32>,
        %get3A_408 = vector.shape_cast %get3A_407 : vector<1x16xf32> to vector<16xf32>
        %sub3A_409 = arith.subf %get3A_404, %get3A_408 : vector<16xf32>
        %get3A_410 = arith.index_cast %scan3A_138 : i32 to index
        %get3A_411 = arith.constant 48 : index
        %get3A_412 = tpu.vector_load %arg12[%get3A_410, %get3A_411] {strides = array<i32>} : memref<16x128xf32, #tpu.memory_space<vmem>>, vector<1x16xf32>,
        %get3A_413 = vector.shape_cast %get3A_412 : vector<1x16xf32> to vector<16xf32>
        %sub3A_414 = arith.subf %sub3A_409, %get3A_413 : vector<16xf32>
        %get3A_415 = arith.index_cast %scan3A_138 : i32 to index
        %get3A_416 = arith.constant 48 : index
        %get3A_417 = tpu.vector_load %arg13[%get3A_415, %get3A_416] {strides = array<i32>} : memref<16x128xf32, #tpu.memory_space<vmem>>, vector<1x16xf32>,
        %get3A_418 = vector.shape_cast %get3A_417 : vector<1x16xf32> to vector<16xf32>
        %add3A_419 = arith.addf %sub3A_414, %get3A_418 : vector<16xf32>
        %swap3A_420 = arith.index_cast %scan3A_138 : i32 to index
        %swap3A_421 = arith.constant 176 : index
        %swap3A_422 = tpu.vector_load %arg14[%swap3A_420, %swap3A_421] {strides = array<i32>} : memref<16x256xf32, #tpu.memory_space<vmem>>, vector<1x16xf32>,
        %swap3A_423 = vector.shape_cast %swap3A_422 : vector<1x16xf32> to vector<16xf32>
        %swap3A_424 = vector.shape_cast %add3A_419 : vector<16xf32> to vector<1x16xf32>
        tpu.vector_store %arg14[%swap3A_420, %swap3A_421], %swap3A_424 {strides = array<i32>} : memref<16x256xf32, #tpu.memory_space<vmem>>, vector<1x16xf32>,
        %get3A_425 = arith.index_cast %scan3A_138 : i32 to index
        %get3A_426 = arith.constant 64 : index
        %get3A_427 = tpu.vector_load %arg10[%get3A_425, %get3A_426] {strides = array<i32>} : memref<16x128xf32, #tpu.memory_space<vmem>>, vector<1x16xf32>,
        %get3A_428 = vector.shape_cast %get3A_427 : vector<1x16xf32> to vector<16xf32>
        %get3A_429 = arith.index_cast %scan3A_138 : i32 to index
        %get3A_430 = arith.constant 64 : index
        %get3A_431 = tpu.vector_load %arg11[%get3A_429, %get3A_430] {strides = array<i32>} : memref<16x128xf32, #tpu.memory_space<vmem>>, vector<1x16xf32>,
        %get3A_432 = vector.shape_cast %get3A_431 : vector<1x16xf32> to vector<16xf32>
        %sub3A_433 = arith.subf %get3A_428, %get3A_432 : vector<16xf32>
        %get3A_434 = arith.index_cast %scan3A_138 : i32 to index
        %get3A_435 = arith.constant 64 : index
        %get3A_436 = tpu.vector_load %arg12[%get3A_434, %get3A_435] {strides = array<i32>} : memref<16x128xf32, #tpu.memory_space<vmem>>, vector<1x16xf32>,
        %get3A_437 = vector.shape_cast %get3A_436 : vector<1x16xf32> to vector<16xf32>
        %sub3A_438 = arith.subf %sub3A_433, %get3A_437 : vector<16xf32>
        %get3A_439 = arith.index_cast %scan3A_138 : i32 to index
        %get3A_440 = arith.constant 64 : index
        %get3A_441 = tpu.vector_load %arg13[%get3A_439, %get3A_440] {strides = array<i32>} : memref<16x128xf32, #tpu.memory_space<vmem>>, vector<1x16xf32>,
        %get3A_442 = vector.shape_cast %get3A_441 : vector<1x16xf32> to vector<16xf32>
        %add3A_443 = arith.addf %sub3A_438, %get3A_442 : vector<16xf32>
        %swap3A_444 = arith.index_cast %scan3A_138 : i32 to index
        %swap3A_445 = arith.constant 192 : index
        %swap3A_446 = tpu.vector_load %arg14[%swap3A_444, %swap3A_445] {strides = array<i32>} : memref<16x256xf32, #tpu.memory_space<vmem>>, vector<1x16xf32>,
        %swap3A_447 = vector.shape_cast %swap3A_446 : vector<1x16xf32> to vector<16xf32>
        %swap3A_448 = vector.shape_cast %add3A_443 : vector<16xf32> to vector<1x16xf32>
        tpu.vector_store %arg14[%swap3A_444, %swap3A_445], %swap3A_448 {strides = array<i32>} : memref<16x256xf32, #tpu.memory_space<vmem>>, vector<1x16xf32>,
        %get3A_449 = arith.index_cast %scan3A_138 : i32 to index
        %get3A_450 = arith.constant 80 : index
        %get3A_451 = tpu.vector_load %arg10[%get3A_449, %get3A_450] {strides = array<i32>} : memref<16x128xf32, #tpu.memory_space<vmem>>, vector<1x16xf32>,
        %get3A_452 = vector.shape_cast %get3A_451 : vector<1x16xf32> to vector<16xf32>
        %get3A_453 = arith.index_cast %scan3A_138 : i32 to index
        %get3A_454 = arith.constant 80 : index
        %get3A_455 = tpu.vector_load %arg11[%get3A_453, %get3A_454] {strides = array<i32>} : memref<16x128xf32, #tpu.memory_space<vmem>>, vector<1x16xf32>,
        %get3A_456 = vector.shape_cast %get3A_455 : vector<1x16xf32> to vector<16xf32>
        %sub3A_457 = arith.subf %get3A_452, %get3A_456 : vector<16xf32>
        %get3A_458 = arith.index_cast %scan3A_138 : i32 to index
        %get3A_459 = arith.constant 80 : index
        %get3A_460 = tpu.vector_load %arg12[%get3A_458, %get3A_459] {strides = array<i32>} : memref<16x128xf32, #tpu.memory_space<vmem>>, vector<1x16xf32>,
        %get3A_461 = vector.shape_cast %get3A_460 : vector<1x16xf32> to vector<16xf32>
        %sub3A_462 = arith.subf %sub3A_457, %get3A_461 : vector<16xf32>
        %get3A_463 = arith.index_cast %scan3A_138 : i32 to index
        %get3A_464 = arith.constant 80 : index
        %get3A_465 = tpu.vector_load %arg13[%get3A_463, %get3A_464] {strides = array<i32>} : memref<16x128xf32, #tpu.memory_space<vmem>>, vector<1x16xf32>,
        %get3A_466 = vector.shape_cast %get3A_465 : vector<1x16xf32> to vector<16xf32>
        %add3A_467 = arith.addf %sub3A_462, %get3A_466 : vector<16xf32>
        %swap3A_468 = arith.index_cast %scan3A_138 : i32 to index
        %swap3A_469 = arith.constant 208 : index
        %swap3A_470 = tpu.vector_load %arg14[%swap3A_468, %swap3A_469] {strides = array<i32>} : memref<16x256xf32, #tpu.memory_space<vmem>>, vector<1x16xf32>,
        %swap3A_471 = vector.shape_cast %swap3A_470 : vector<1x16xf32> to vector<16xf32>
        %swap3A_472 = vector.shape_cast %add3A_467 : vector<16xf32> to vector<1x16xf32>
        tpu.vector_store %arg14[%swap3A_468, %swap3A_469], %swap3A_472 {strides = array<i32>} : memref<16x256xf32, #tpu.memory_space<vmem>>, vector<1x16xf32>,
        %get3A_473 = arith.index_cast %scan3A_138 : i32 to index
        %get3A_474 = arith.constant 96 : index
        %get3A_475 = tpu.vector_load %arg10[%get3A_473, %get3A_474] {strides = array<i32>} : memref<16x128xf32, #tpu.memory_space<vmem>>, vector<1x16xf32>,
        %get3A_476 = vector.shape_cast %get3A_475 : vector<1x16xf32> to vector<16xf32>
        %get3A_477 = arith.index_cast %scan3A_138 : i32 to index
        %get3A_478 = arith.constant 96 : index
        %get3A_479 = tpu.vector_load %arg11[%get3A_477, %get3A_478] {strides = array<i32>} : memref<16x128xf32, #tpu.memory_space<vmem>>, vector<1x16xf32>,
        %get3A_480 = vector.shape_cast %get3A_479 : vector<1x16xf32> to vector<16xf32>
        %sub3A_481 = arith.subf %get3A_476, %get3A_480 : vector<16xf32>
        %get3A_482 = arith.index_cast %scan3A_138 : i32 to index
        %get3A_483 = arith.constant 96 : index
        %get3A_484 = tpu.vector_load %arg12[%get3A_482, %get3A_483] {strides = array<i32>} : memref<16x128xf32, #tpu.memory_space<vmem>>, vector<1x16xf32>,
        %get3A_485 = vector.shape_cast %get3A_484 : vector<1x16xf32> to vector<16xf32>
        %sub3A_486 = arith.subf %sub3A_481, %get3A_485 : vector<16xf32>
        %get3A_487 = arith.index_cast %scan3A_138 : i32 to index
        %get3A_488 = arith.constant 96 : index
        %get3A_489 = tpu.vector_load %arg13[%get3A_487, %get3A_488] {strides = array<i32>} : memref<16x128xf32, #tpu.memory_space<vmem>>, vector<1x16xf32>,
        %get3A_490 = vector.shape_cast %get3A_489 : vector<1x16xf32> to vector<16xf32>
        %add3A_491 = arith.addf %sub3A_486, %get3A_490 : vector<16xf32>
        %swap3A_492 = arith.index_cast %scan3A_138 : i32 to index
        %swap3A_493 = arith.constant 224 : index
        %swap3A_494 = tpu.vector_load %arg14[%swap3A_492, %swap3A_493] {strides = array<i32>} : memref<16x256xf32, #tpu.memory_space<vmem>>, vector<1x16xf32>,
        %swap3A_495 = vector.shape_cast %swap3A_494 : vector<1x16xf32> to vector<16xf32>
        %swap3A_496 = vector.shape_cast %add3A_491 : vector<16xf32> to vector<1x16xf32>
        tpu.vector_store %arg14[%swap3A_492, %swap3A_493], %swap3A_496 {strides = array<i32>} : memref<16x256xf32, #tpu.memory_space<vmem>>, vector<1x16xf32>,
        %get3A_497 = arith.index_cast %scan3A_138 : i32 to index
        %get3A_498 = arith.constant 112 : index
        %get3A_499 = tpu.vector_load %arg10[%get3A_497, %get3A_498] {strides = array<i32>} : memref<16x128xf32, #tpu.memory_space<vmem>>, vector<1x16xf32>,
        %get3A_500 = vector.shape_cast %get3A_499 : vector<1x16xf32> to vector<16xf32>
        %get3A_501 = arith.index_cast %scan3A_138 : i32 to index
        %get3A_502 = arith.constant 112 : index
        %get3A_503 = tpu.vector_load %arg11[%get3A_501, %get3A_502] {strides = array<i32>} : memref<16x128xf32, #tpu.memory_space<vmem>>, vector<1x16xf32>,
        %get3A_504 = vector.shape_cast %get3A_503 : vector<1x16xf32> to vector<16xf32>
        %sub3A_505 = arith.subf %get3A_500, %get3A_504 : vector<16xf32>
        %get3A_506 = arith.index_cast %scan3A_138 : i32 to index
        %get3A_507 = arith.constant 112 : index
        %get3A_508 = tpu.vector_load %arg12[%get3A_506, %get3A_507] {strides = array<i32>} : memref<16x128xf32, #tpu.memory_space<vmem>>, vector<1x16xf32>,
        %get3A_509 = vector.shape_cast %get3A_508 : vector<1x16xf32> to vector<16xf32>
        %sub3A_510 = arith.subf %sub3A_505, %get3A_509 : vector<16xf32>
        %get3A_511 = arith.index_cast %scan3A_138 : i32 to index
        %get3A_512 = arith.constant 112 : index
        %get3A_513 = tpu.vector_load %arg13[%get3A_511, %get3A_512] {strides = array<i32>} : memref<16x128xf32, #tpu.memory_space<vmem>>, vector<1x16xf32>,
        %get3A_514 = vector.shape_cast %get3A_513 : vector<1x16xf32> to vector<16xf32>
        %add3A_515 = arith.addf %sub3A_510, %get3A_514 : vector<16xf32>
        %swap3A_516 = arith.index_cast %scan3A_138 : i32 to index
        %swap3A_517 = arith.constant 240 : index
        %swap3A_518 = tpu.vector_load %arg14[%swap3A_516, %swap3A_517] {strides = array<i32>} : memref<16x256xf32, #tpu.memory_space<vmem>>, vector<1x16xf32>,
        %swap3A_519 = vector.shape_cast %swap3A_518 : vector<1x16xf32> to vector<16xf32>
        %swap3A_520 = vector.shape_cast %add3A_515 : vector<16xf32> to vector<1x16xf32>
        tpu.vector_store %arg14[%swap3A_516, %swap3A_517], %swap3A_520 {strides = array<i32>} : memref<16x256xf32, #tpu.memory_space<vmem>>, vector<1x16xf32>,
      }
      %scan3A_137 = arith.constant 16 : i32
      "tpu.region"() ({
        %run_scoped3A = tpu.sem_alloc : memref<!tpu.dma_semaphore, #tpu.memory_space<semaphore_mem>>
        %dma_start3A_138 = arith.constant 0 : i32
        %dma_start3A_139 = tpu.memref_slice %arg4[%mul3A_13, %dma_start3A_138] : memref<720x256xf32, #tpu.memory_space<hbm>> -> memref<16x256xf32, #tpu.memory_space<hbm>>
        %dma_start3A_140 = arith.constant 0 : i32
        %dma_start3A_141 = tpu.memref_slice %arg4[%mul3A_13, %dma_start3A_140] : memref<720x256xf32, #tpu.memory_space<hbm>> -> memref<16x256xf32, #tpu.memory_space<hbm>>
        tpu.enqueue_dma source(%arg14 : memref<16x256xf32, #tpu.memory_space<vmem>>) target(%dma_start3A_141 : memref<16x256xf32, #tpu.memory_space<hbm>>) target_semaphore(%run_scoped3A : memref<!tpu.dma_semaphore, #tpu.memory_space<semaphore_mem>>)
        %dma_wait3A_142 = arith.constant 0 : i32
        %dma_wait3A_143 = tpu.memref_slice %arg4[%mul3A_13, %dma_wait3A_142] : memref<720x256xf32, #tpu.memory_space<hbm>> -> memref<16x256xf32, #tpu.memory_space<hbm>>
        %dma_wait3A_144 = arith.constant 0 : i32
        %dma_wait3A_145 = tpu.memref_slice %arg4[%mul3A_13, %dma_wait3A_144] : memref<720x256xf32, #tpu.memory_space<hbm>> -> memref<16x256xf32, #tpu.memory_space<hbm>>
        tpu.wait_dma2 semaphore(%run_scoped3A : memref<!tpu.dma_semaphore, #tpu.memory_space<semaphore_mem>>) src(%arg14 : memref<16x256xf32, #tpu.memory_space<vmem>>) dst(%dma_wait3A_145 : memref<16x256xf32, #tpu.memory_space<hbm>>)
        tpu.yield
      }) : () -> ()
    } else {
    }
    %add3A_5 = arith.constant 32 : i32
    %add3A_6 = arith.addi %add3A, %add3A_5 : i32
    %lt3A_7 = arith.constant 45 : i32
    %lt3A_8 = arith.cmpi slt, %add3A_6, %lt3A_7 : i32
    %convert_element_type3A_9 = arith.extui %lt3A_8 : i1 to i32
    %cond3A_10 = arith.constant 0 : i32
    %cond3A_11 = arith.cmpi ne, %convert_element_type3A_9, %cond3A_10 : i32
    scf.if %cond3A_11 {
      %mul3A_12 = arith.constant 16 : i32
      %mul3A_13 = arith.muli %add3A_6, %mul3A_12 : i32
      %get3A = arith.constant 0 : i32
      %get3A_14 = arith.index_cast %get3A : i32 to index
      %get3A_15 = arith.index_cast %mul3A_13 : i32 to index
      %get3A_16 = tpu.vector_load %arg5[%get3A_14, %get3A_15] {strides = array<i32>} : memref<5x720xf32, #tpu.memory_space<vmem>>, vector<1x16xf32>,
      %get3A_17 = vector.shape_cast %get3A_16 : vector<1x16xf32> to vector<16xf32>
      %mul3A_18 = arith.constant 6.250000e-02 : f32
      %mul3A_19 = vector.broadcast %mul3A_18 : f32 to vector<16xf32>
      %mul3A_20 = arith.mulf %get3A_17, %mul3A_19 : vector<16xf32>
      %convert_element_type3A_21 = arith.fptosi %mul3A_20 : vector<16xf32> to vector<16xi32>
      %get3A_22 = arith.constant 1 : i32
      %get3A_23 = arith.index_cast %get3A_22 : i32 to index
      %get3A_24 = arith.index_cast %mul3A_13 : i32 to index
      %get3A_25 = tpu.vector_load %arg5[%get3A_23, %get3A_24] {strides = array<i32>} : memref<5x720xf32, #tpu.memory_space<vmem>>, vector<1x16xf32>,
      %get3A_26 = vector.shape_cast %get3A_25 : vector<1x16xf32> to vector<16xf32>
      %mul3A_27 = arith.constant 6.250000e-02 : f32
      %mul3A_28 = vector.broadcast %mul3A_27 : f32 to vector<16xf32>
      %mul3A_29 = arith.mulf %get3A_26, %mul3A_28 : vector<16xf32>
      %convert_element_type3A_30 = arith.fptosi %mul3A_29 : vector<16xf32> to vector<16xi32>
      %get3A_31 = arith.constant 2 : i32
      %get3A_32 = arith.index_cast %get3A_31 : i32 to index
      %get3A_33 = arith.index_cast %mul3A_13 : i32 to index
      %get3A_34 = tpu.vector_load %arg5[%get3A_32, %get3A_33] {strides = array<i32>} : memref<5x720xf32, #tpu.memory_space<vmem>>, vector<1x16xf32>,
      %get3A_35 = vector.shape_cast %get3A_34 : vector<1x16xf32> to vector<16xf32>
      %mul3A_36 = arith.constant 6.250000e-02 : f32
      %mul3A_37 = vector.broadcast %mul3A_36 : f32 to vector<16xf32>
      %mul3A_38 = arith.mulf %get3A_35, %mul3A_37 : vector<16xf32>
      %convert_element_type3A_39 = arith.fptosi %mul3A_38 : vector<16xf32> to vector<16xi32>
      %get3A_40 = arith.constant 3 : i32
      %get3A_41 = arith.index_cast %get3A_40 : i32 to index
      %get3A_42 = arith.index_cast %mul3A_13 : i32 to index
      %get3A_43 = tpu.vector_load %arg5[%get3A_41, %get3A_42] {strides = array<i32>} : memref<5x720xf32, #tpu.memory_space<vmem>>, vector<1x16xf32>,
      %get3A_44 = vector.shape_cast %get3A_43 : vector<1x16xf32> to vector<16xf32>
      %mul3A_45 = arith.constant 6.250000e-02 : f32
      %mul3A_46 = vector.broadcast %mul3A_45 : f32 to vector<16xf32>
      %mul3A_47 = arith.mulf %get3A_44, %mul3A_46 : vector<16xf32>
      %convert_element_type3A_48 = arith.fptosi %mul3A_47 : vector<16xf32> to vector<16xi32>
      %get3A_49 = arith.constant 4 : i32
      %get3A_50 = arith.index_cast %get3A_49 : i32 to index
      %get3A_51 = arith.index_cast %mul3A_13 : i32 to index
      %get3A_52 = tpu.vector_load %arg5[%get3A_50, %get3A_51] {strides = array<i32>} : memref<5x720xf32, #tpu.memory_space<vmem>>, vector<1x16xf32>,
      %get3A_53 = vector.shape_cast %get3A_52 : vector<1x16xf32> to vector<16xf32>
      %convert_element_type3A_54 = arith.fptosi %get3A_53 : vector<16xf32> to vector<16xi32>
      %mul3A_55 = arith.constant 72 : i32
      %mul3A_56 = vector.broadcast %mul3A_55 : i32 to vector<16xi32>
      %mul3A_57 = arith.muli %convert_element_type3A_48, %mul3A_56 : vector<16xi32>
      %add3A_58 = arith.addi %convert_element_type3A_54, %mul3A_57 : vector<16xi32>
      %add3A_59 = arith.addi %add3A_58, %convert_element_type3A_39 : vector<16xi32>
      %mul3A_60 = arith.constant 72 : i32
      %mul3A_61 = vector.broadcast %mul3A_60 : i32 to vector<16xi32>
      %mul3A_62 = arith.muli %convert_element_type3A_30, %mul3A_61 : vector<16xi32>
      %add3A_63 = arith.addi %convert_element_type3A_54, %mul3A_62 : vector<16xi32>
      %add3A_64 = arith.addi %add3A_63, %convert_element_type3A_39 : vector<16xi32>
      %mul3A_65 = arith.constant 72 : i32
      %mul3A_66 = vector.broadcast %mul3A_65 : i32 to vector<16xi32>
      %mul3A_67 = arith.muli %convert_element_type3A_48, %mul3A_66 : vector<16xi32>
      %add3A_68 = arith.addi %convert_element_type3A_54, %mul3A_67 : vector<16xi32>
      %add3A_69 = arith.addi %add3A_68, %convert_element_type3A_21 : vector<16xi32>
      %mul3A_70 = arith.constant 72 : i32
      %mul3A_71 = vector.broadcast %mul3A_70 : i32 to vector<16xi32>
      %mul3A_72 = arith.muli %convert_element_type3A_30, %mul3A_71 : vector<16xi32>
      %add3A_73 = arith.addi %convert_element_type3A_54, %mul3A_72 : vector<16xi32>
      %add3A_74 = arith.addi %add3A_73, %convert_element_type3A_21 : vector<16xi32>
      %dma_start3A = arith.constant 0 : i32
      %dma_start3A_75 = arith.constant 0 : i32
      %dma_start3A_76 = tpu.memref_slice %arg2[%dma_start3A, %dma_start3A_75] : memref<37440x128xf32, #tpu.memory_space<hbm>> -> memref<37440x128xf32, #tpu.memory_space<hbm>>
      tpu.enqueue_indirect_dma source(%dma_start3A_76 : memref<37440x128xf32, #tpu.memory_space<hbm>>) target(%arg6 : memref<16x128xf32, #tpu.memory_space<vmem>>) offsets(%add3A_59 : vector<16xi32>) semaphore(%arg15 : memref<!tpu.dma_semaphore, #tpu.memory_space<semaphore_mem>>)
      %dma_start3A_77 = arith.constant 0 : i32
      %dma_start3A_78 = arith.constant 0 : i32
      %dma_start3A_79 = tpu.memref_slice %arg2[%dma_start3A_77, %dma_start3A_78] : memref<37440x128xf32, #tpu.memory_space<hbm>> -> memref<37440x128xf32, #tpu.memory_space<hbm>>
      tpu.enqueue_indirect_dma source(%dma_start3A_79 : memref<37440x128xf32, #tpu.memory_space<hbm>>) target(%arg7 : memref<16x128xf32, #tpu.memory_space<vmem>>) offsets(%add3A_64 : vector<16xi32>) semaphore(%arg16 : memref<!tpu.dma_semaphore, #tpu.memory_space<semaphore_mem>>)
      %dma_start3A_80 = arith.constant 0 : i32
      %dma_start3A_81 = arith.constant 0 : i32
      %dma_start3A_82 = tpu.memref_slice %arg2[%dma_start3A_80, %dma_start3A_81] : memref<37440x128xf32, #tpu.memory_space<hbm>> -> memref<37440x128xf32, #tpu.memory_space<hbm>>
      tpu.enqueue_indirect_dma source(%dma_start3A_82 : memref<37440x128xf32, #tpu.memory_space<hbm>>) target(%arg8 : memref<16x128xf32, #tpu.memory_space<vmem>>) offsets(%add3A_69 : vector<16xi32>) semaphore(%arg17 : memref<!tpu.dma_semaphore, #tpu.memory_space<semaphore_mem>>)
      %dma_start3A_83 = arith.constant 0 : i32
      %dma_start3A_84 = arith.constant 0 : i32
      %dma_start3A_85 = tpu.memref_slice %arg2[%dma_start3A_83, %dma_start3A_84] : memref<37440x128xf32, #tpu.memory_space<hbm>> -> memref<37440x128xf32, #tpu.memory_space<hbm>>
      tpu.enqueue_indirect_dma source(%dma_start3A_85 : memref<37440x128xf32, #tpu.memory_space<hbm>>) target(%arg9 : memref<16x128xf32, #tpu.memory_space<vmem>>) offsets(%add3A_74 : vector<16xi32>) semaphore(%arg18 : memref<!tpu.dma_semaphore, #tpu.memory_space<semaphore_mem>>)
      %add3A_86 = arith.constant 18720 : i32
      %add3A_87 = vector.broadcast %add3A_86 : i32 to vector<16xi32>
      %add3A_88 = arith.addi %add3A_59, %add3A_87 : vector<16xi32>
      %dma_start3A_89 = arith.constant 0 : i32
      %dma_start3A_90 = arith.constant 0 : i32
      %dma_start3A_91 = tpu.memref_slice %arg2[%dma_start3A_89, %dma_start3A_90] : memref<37440x128xf32, #tpu.memory_space<hbm>> -> memref<37440x128xf32, #tpu.memory_space<hbm>>
      tpu.enqueue_indirect_dma source(%dma_start3A_91 : memref<37440x128xf32, #tpu.memory_space<hbm>>) target(%arg10 : memref<16x128xf32, #tpu.memory_space<vmem>>) offsets(%add3A_88 : vector<16xi32>) semaphore(%arg19 : memref<!tpu.dma_semaphore, #tpu.memory_space<semaphore_mem>>)
      %add3A_92 = arith.constant 18720 : i32
      %add3A_93 = vector.broadcast %add3A_92 : i32 to vector<16xi32>
      %add3A_94 = arith.addi %add3A_64, %add3A_93 : vector<16xi32>
      %dma_start3A_95 = arith.constant 0 : i32
      %dma_start3A_96 = arith.constant 0 : i32
      %dma_start3A_97 = tpu.memref_slice %arg2[%dma_start3A_95, %dma_start3A_96] : memref<37440x128xf32, #tpu.memory_space<hbm>> -> memref<37440x128xf32, #tpu.memory_space<hbm>>
      tpu.enqueue_indirect_dma source(%dma_start3A_97 : memref<37440x128xf32, #tpu.memory_space<hbm>>) target(%arg11 : memref<16x128xf32, #tpu.memory_space<vmem>>) offsets(%add3A_94 : vector<16xi32>) semaphore(%arg20 : memref<!tpu.dma_semaphore, #tpu.memory_space<semaphore_mem>>)
      %add3A_98 = arith.constant 18720 : i32
      %add3A_99 = vector.broadcast %add3A_98 : i32 to vector<16xi32>
      %add3A_100 = arith.addi %add3A_69, %add3A_99 : vector<16xi32>
      %dma_start3A_101 = arith.constant 0 : i32
      %dma_start3A_102 = arith.constant 0 : i32
      %dma_start3A_103 = tpu.memref_slice %arg2[%dma_start3A_101, %dma_start3A_102] : memref<37440x128xf32, #tpu.memory_space<hbm>> -> memref<37440x128xf32, #tpu.memory_space<hbm>>
      tpu.enqueue_indirect_dma source(%dma_start3A_103 : memref<37440x128xf32, #tpu.memory_space<hbm>>) target(%arg12 : memref<16x128xf32, #tpu.memory_space<vmem>>) offsets(%add3A_100 : vector<16xi32>) semaphore(%arg21 : memref<!tpu.dma_semaphore, #tpu.memory_space<semaphore_mem>>)
      %add3A_104 = arith.constant 18720 : i32
      %add3A_105 = vector.broadcast %add3A_104 : i32 to vector<16xi32>
      %add3A_106 = arith.addi %add3A_74, %add3A_105 : vector<16xi32>
      %dma_start3A_107 = arith.constant 0 : i32
      %dma_start3A_108 = arith.constant 0 : i32
      %dma_start3A_109 = tpu.memref_slice %arg2[%dma_start3A_107, %dma_start3A_108] : memref<37440x128xf32, #tpu.memory_space<hbm>> -> memref<37440x128xf32, #tpu.memory_space<hbm>>
      tpu.enqueue_indirect_dma source(%dma_start3A_109 : memref<37440x128xf32, #tpu.memory_space<hbm>>) target(%arg13 : memref<16x128xf32, #tpu.memory_space<vmem>>) offsets(%add3A_106 : vector<16xi32>) semaphore(%arg22 : memref<!tpu.dma_semaphore, #tpu.memory_space<semaphore_mem>>)
      %dma_wait3A = arith.constant 0 : i32
      %dma_wait3A_110 = arith.constant 0 : i32
      %dma_wait3A_111 = tpu.memref_slice %arg2[%dma_wait3A, %dma_wait3A_110] : memref<37440x128xf32, #tpu.memory_space<hbm>> -> memref<37440x128xf32, #tpu.memory_space<hbm>>
      tpu.wait_indirect_dma semaphore(%arg15 : memref<!tpu.dma_semaphore, #tpu.memory_space<semaphore_mem>>) src(%dma_wait3A_111 : memref<37440x128xf32, #tpu.memory_space<hbm>>) dst(%arg6 : memref<16x128xf32, #tpu.memory_space<vmem>>)
      %dma_wait3A_112 = arith.constant 0 : i32
      %dma_wait3A_113 = arith.constant 0 : i32
      %dma_wait3A_114 = tpu.memref_slice %arg2[%dma_wait3A_112, %dma_wait3A_113] : memref<37440x128xf32, #tpu.memory_space<hbm>> -> memref<37440x128xf32, #tpu.memory_space<hbm>>
      tpu.wait_indirect_dma semaphore(%arg16 : memref<!tpu.dma_semaphore, #tpu.memory_space<semaphore_mem>>) src(%dma_wait3A_114 : memref<37440x128xf32, #tpu.memory_space<hbm>>) dst(%arg7 : memref<16x128xf32, #tpu.memory_space<vmem>>)
      %dma_wait3A_115 = arith.constant 0 : i32
      %dma_wait3A_116 = arith.constant 0 : i32
      %dma_wait3A_117 = tpu.memref_slice %arg2[%dma_wait3A_115, %dma_wait3A_116] : memref<37440x128xf32, #tpu.memory_space<hbm>> -> memref<37440x128xf32, #tpu.memory_space<hbm>>
      tpu.wait_indirect_dma semaphore(%arg17 : memref<!tpu.dma_semaphore, #tpu.memory_space<semaphore_mem>>) src(%dma_wait3A_117 : memref<37440x128xf32, #tpu.memory_space<hbm>>) dst(%arg8 : memref<16x128xf32, #tpu.memory_space<vmem>>)
      %dma_wait3A_118 = arith.constant 0 : i32
      %dma_wait3A_119 = arith.constant 0 : i32
      %dma_wait3A_120 = tpu.memref_slice %arg2[%dma_wait3A_118, %dma_wait3A_119] : memref<37440x128xf32, #tpu.memory_space<hbm>> -> memref<37440x128xf32, #tpu.memory_space<hbm>>
      tpu.wait_indirect_dma semaphore(%arg18 : memref<!tpu.dma_semaphore, #tpu.memory_space<semaphore_mem>>) src(%dma_wait3A_120 : memref<37440x128xf32, #tpu.memory_space<hbm>>) dst(%arg9 : memref<16x128xf32, #tpu.memory_space<vmem>>)
      %dma_wait3A_121 = arith.constant 0 : i32
      %dma_wait3A_122 = arith.constant 0 : i32
      %dma_wait3A_123 = tpu.memref_slice %arg2[%dma_wait3A_121, %dma_wait3A_122] : memref<37440x128xf32, #tpu.memory_space<hbm>> -> memref<37440x128xf32, #tpu.memory_space<hbm>>
      tpu.wait_indirect_dma semaphore(%arg19 : memref<!tpu.dma_semaphore, #tpu.memory_space<semaphore_mem>>) src(%dma_wait3A_123 : memref<37440x128xf32, #tpu.memory_space<hbm>>) dst(%arg10 : memref<16x128xf32, #tpu.memory_space<vmem>>)
      %dma_wait3A_124 = arith.constant 0 : i32
      %dma_wait3A_125 = arith.constant 0 : i32
      %dma_wait3A_126 = tpu.memref_slice %arg2[%dma_wait3A_124, %dma_wait3A_125] : memref<37440x128xf32, #tpu.memory_space<hbm>> -> memref<37440x128xf32, #tpu.memory_space<hbm>>
      tpu.wait_indirect_dma semaphore(%arg20 : memref<!tpu.dma_semaphore, #tpu.memory_space<semaphore_mem>>) src(%dma_wait3A_126 : memref<37440x128xf32, #tpu.memory_space<hbm>>) dst(%arg11 : memref<16x128xf32, #tpu.memory_space<vmem>>)
      %dma_wait3A_127 = arith.constant 0 : i32
      %dma_wait3A_128 = arith.constant 0 : i32
      %dma_wait3A_129 = tpu.memref_slice %arg2[%dma_wait3A_127, %dma_wait3A_128] : memref<37440x128xf32, #tpu.memory_space<hbm>> -> memref<37440x128xf32, #tpu.memory_space<hbm>>
      tpu.wait_indirect_dma semaphore(%arg21 : memref<!tpu.dma_semaphore, #tpu.memory_space<semaphore_mem>>) src(%dma_wait3A_129 : memref<37440x128xf32, #tpu.memory_space<hbm>>) dst(%arg12 : memref<16x128xf32, #tpu.memory_space<vmem>>)
      %dma_wait3A_130 = arith.constant 0 : i32
      %dma_wait3A_131 = arith.constant 0 : i32
      %dma_wait3A_132 = tpu.memref_slice %arg2[%dma_wait3A_130, %dma_wait3A_131] : memref<37440x128xf32, #tpu.memory_space<hbm>> -> memref<37440x128xf32, #tpu.memory_space<hbm>>
      tpu.wait_indirect_dma semaphore(%arg22 : memref<!tpu.dma_semaphore, #tpu.memory_space<semaphore_mem>>) src(%dma_wait3A_132 : memref<37440x128xf32, #tpu.memory_space<hbm>>) dst(%arg13 : memref<16x128xf32, #tpu.memory_space<vmem>>)
      %scan3A = arith.constant 0 : i32
      %scan3A_133 = arith.constant 0 : i32
      %scan3A_134 = arith.constant 16 : i32
      %scan3A_135 = arith.addi %scan3A_133, %scan3A_134 : i32
      %scan3A_136 = arith.constant 1 : i32
      scf.for %scan3A_138 = %scan3A_133 to %scan3A_135 step %scan3A_136  : i32 {
        %get3A_139 = arith.index_cast %scan3A_138 : i32 to index
        %get3A_140 = arith.constant 0 : index
        %get3A_141 = tpu.vector_load %arg6[%get3A_139, %get3A_140] {strides = array<i32>} : memref<16x128xf32, #tpu.memory_space<vmem>>, vector<1x16xf32>,
        %get3A_142 = vector.shape_cast %get3A_141 : vector<1x16xf32> to vector<16xf32>
        %get3A_143 = arith.index_cast %scan3A_138 : i32 to index
        %get3A_144 = arith.constant 0 : index
        %get3A_145 = tpu.vector_load %arg7[%get3A_143, %get3A_144] {strides = array<i32>} : memref<16x128xf32, #tpu.memory_space<vmem>>, vector<1x16xf32>,
        %get3A_146 = vector.shape_cast %get3A_145 : vector<1x16xf32> to vector<16xf32>
        %sub3A = arith.subf %get3A_142, %get3A_146 : vector<16xf32>
        %get3A_147 = arith.index_cast %scan3A_138 : i32 to index
        %get3A_148 = arith.constant 0 : index
        %get3A_149 = tpu.vector_load %arg8[%get3A_147, %get3A_148] {strides = array<i32>} : memref<16x128xf32, #tpu.memory_space<vmem>>, vector<1x16xf32>,
        %get3A_150 = vector.shape_cast %get3A_149 : vector<1x16xf32> to vector<16xf32>
        %sub3A_151 = arith.subf %sub3A, %get3A_150 : vector<16xf32>
        %get3A_152 = arith.index_cast %scan3A_138 : i32 to index
        %get3A_153 = arith.constant 0 : index
        %get3A_154 = tpu.vector_load %arg9[%get3A_152, %get3A_153] {strides = array<i32>} : memref<16x128xf32, #tpu.memory_space<vmem>>, vector<1x16xf32>,
        %get3A_155 = vector.shape_cast %get3A_154 : vector<1x16xf32> to vector<16xf32>
        %add3A_156 = arith.addf %sub3A_151, %get3A_155 : vector<16xf32>
        %swap3A = arith.index_cast %scan3A_138 : i32 to index
        %swap3A_157 = arith.constant 0 : index
        %swap3A_158 = tpu.vector_load %arg14[%swap3A, %swap3A_157] {strides = array<i32>} : memref<16x256xf32, #tpu.memory_space<vmem>>, vector<1x16xf32>,
        %swap3A_159 = vector.shape_cast %swap3A_158 : vector<1x16xf32> to vector<16xf32>
        %swap3A_160 = vector.shape_cast %add3A_156 : vector<16xf32> to vector<1x16xf32>
        tpu.vector_store %arg14[%swap3A, %swap3A_157], %swap3A_160 {strides = array<i32>} : memref<16x256xf32, #tpu.memory_space<vmem>>, vector<1x16xf32>,
        %get3A_161 = arith.index_cast %scan3A_138 : i32 to index
        %get3A_162 = arith.constant 16 : index
        %get3A_163 = tpu.vector_load %arg6[%get3A_161, %get3A_162] {strides = array<i32>} : memref<16x128xf32, #tpu.memory_space<vmem>>, vector<1x16xf32>,
        %get3A_164 = vector.shape_cast %get3A_163 : vector<1x16xf32> to vector<16xf32>
        %get3A_165 = arith.index_cast %scan3A_138 : i32 to index
        %get3A_166 = arith.constant 16 : index
        %get3A_167 = tpu.vector_load %arg7[%get3A_165, %get3A_166] {strides = array<i32>} : memref<16x128xf32, #tpu.memory_space<vmem>>, vector<1x16xf32>,
        %get3A_168 = vector.shape_cast %get3A_167 : vector<1x16xf32> to vector<16xf32>
        %sub3A_169 = arith.subf %get3A_164, %get3A_168 : vector<16xf32>
        %get3A_170 = arith.index_cast %scan3A_138 : i32 to index
        %get3A_171 = arith.constant 16 : index
        %get3A_172 = tpu.vector_load %arg8[%get3A_170, %get3A_171] {strides = array<i32>} : memref<16x128xf32, #tpu.memory_space<vmem>>, vector<1x16xf32>,
        %get3A_173 = vector.shape_cast %get3A_172 : vector<1x16xf32> to vector<16xf32>
        %sub3A_174 = arith.subf %sub3A_169, %get3A_173 : vector<16xf32>
        %get3A_175 = arith.index_cast %scan3A_138 : i32 to index
        %get3A_176 = arith.constant 16 : index
        %get3A_177 = tpu.vector_load %arg9[%get3A_175, %get3A_176] {strides = array<i32>} : memref<16x128xf32, #tpu.memory_space<vmem>>, vector<1x16xf32>,
        %get3A_178 = vector.shape_cast %get3A_177 : vector<1x16xf32> to vector<16xf32>
        %add3A_179 = arith.addf %sub3A_174, %get3A_178 : vector<16xf32>
        %swap3A_180 = arith.index_cast %scan3A_138 : i32 to index
        %swap3A_181 = arith.constant 16 : index
        %swap3A_182 = tpu.vector_load %arg14[%swap3A_180, %swap3A_181] {strides = array<i32>} : memref<16x256xf32, #tpu.memory_space<vmem>>, vector<1x16xf32>,
        %swap3A_183 = vector.shape_cast %swap3A_182 : vector<1x16xf32> to vector<16xf32>
        %swap3A_184 = vector.shape_cast %add3A_179 : vector<16xf32> to vector<1x16xf32>
        tpu.vector_store %arg14[%swap3A_180, %swap3A_181], %swap3A_184 {strides = array<i32>} : memref<16x256xf32, #tpu.memory_space<vmem>>, vector<1x16xf32>,
        %get3A_185 = arith.index_cast %scan3A_138 : i32 to index
        %get3A_186 = arith.constant 32 : index
        %get3A_187 = tpu.vector_load %arg6[%get3A_185, %get3A_186] {strides = array<i32>} : memref<16x128xf32, #tpu.memory_space<vmem>>, vector<1x16xf32>,
        %get3A_188 = vector.shape_cast %get3A_187 : vector<1x16xf32> to vector<16xf32>
        %get3A_189 = arith.index_cast %scan3A_138 : i32 to index
        %get3A_190 = arith.constant 32 : index
        %get3A_191 = tpu.vector_load %arg7[%get3A_189, %get3A_190] {strides = array<i32>} : memref<16x128xf32, #tpu.memory_space<vmem>>, vector<1x16xf32>,
        %get3A_192 = vector.shape_cast %get3A_191 : vector<1x16xf32> to vector<16xf32>
        %sub3A_193 = arith.subf %get3A_188, %get3A_192 : vector<16xf32>
        %get3A_194 = arith.index_cast %scan3A_138 : i32 to index
        %get3A_195 = arith.constant 32 : index
        %get3A_196 = tpu.vector_load %arg8[%get3A_194, %get3A_195] {strides = array<i32>} : memref<16x128xf32, #tpu.memory_space<vmem>>, vector<1x16xf32>,
        %get3A_197 = vector.shape_cast %get3A_196 : vector<1x16xf32> to vector<16xf32>
        %sub3A_198 = arith.subf %sub3A_193, %get3A_197 : vector<16xf32>
        %get3A_199 = arith.index_cast %scan3A_138 : i32 to index
        %get3A_200 = arith.constant 32 : index
        %get3A_201 = tpu.vector_load %arg9[%get3A_199, %get3A_200] {strides = array<i32>} : memref<16x128xf32, #tpu.memory_space<vmem>>, vector<1x16xf32>,
        %get3A_202 = vector.shape_cast %get3A_201 : vector<1x16xf32> to vector<16xf32>
        %add3A_203 = arith.addf %sub3A_198, %get3A_202 : vector<16xf32>
        %swap3A_204 = arith.index_cast %scan3A_138 : i32 to index
        %swap3A_205 = arith.constant 32 : index
        %swap3A_206 = tpu.vector_load %arg14[%swap3A_204, %swap3A_205] {strides = array<i32>} : memref<16x256xf32, #tpu.memory_space<vmem>>, vector<1x16xf32>,
        %swap3A_207 = vector.shape_cast %swap3A_206 : vector<1x16xf32> to vector<16xf32>
        %swap3A_208 = vector.shape_cast %add3A_203 : vector<16xf32> to vector<1x16xf32>
        tpu.vector_store %arg14[%swap3A_204, %swap3A_205], %swap3A_208 {strides = array<i32>} : memref<16x256xf32, #tpu.memory_space<vmem>>, vector<1x16xf32>,
        %get3A_209 = arith.index_cast %scan3A_138 : i32 to index
        %get3A_210 = arith.constant 48 : index
        %get3A_211 = tpu.vector_load %arg6[%get3A_209, %get3A_210] {strides = array<i32>} : memref<16x128xf32, #tpu.memory_space<vmem>>, vector<1x16xf32>,
        %get3A_212 = vector.shape_cast %get3A_211 : vector<1x16xf32> to vector<16xf32>
        %get3A_213 = arith.index_cast %scan3A_138 : i32 to index
        %get3A_214 = arith.constant 48 : index
        %get3A_215 = tpu.vector_load %arg7[%get3A_213, %get3A_214] {strides = array<i32>} : memref<16x128xf32, #tpu.memory_space<vmem>>, vector<1x16xf32>,
        %get3A_216 = vector.shape_cast %get3A_215 : vector<1x16xf32> to vector<16xf32>
        %sub3A_217 = arith.subf %get3A_212, %get3A_216 : vector<16xf32>
        %get3A_218 = arith.index_cast %scan3A_138 : i32 to index
        %get3A_219 = arith.constant 48 : index
        %get3A_220 = tpu.vector_load %arg8[%get3A_218, %get3A_219] {strides = array<i32>} : memref<16x128xf32, #tpu.memory_space<vmem>>, vector<1x16xf32>,
        %get3A_221 = vector.shape_cast %get3A_220 : vector<1x16xf32> to vector<16xf32>
        %sub3A_222 = arith.subf %sub3A_217, %get3A_221 : vector<16xf32>
        %get3A_223 = arith.index_cast %scan3A_138 : i32 to index
        %get3A_224 = arith.constant 48 : index
        %get3A_225 = tpu.vector_load %arg9[%get3A_223, %get3A_224] {strides = array<i32>} : memref<16x128xf32, #tpu.memory_space<vmem>>, vector<1x16xf32>,
        %get3A_226 = vector.shape_cast %get3A_225 : vector<1x16xf32> to vector<16xf32>
        %add3A_227 = arith.addf %sub3A_222, %get3A_226 : vector<16xf32>
        %swap3A_228 = arith.index_cast %scan3A_138 : i32 to index
        %swap3A_229 = arith.constant 48 : index
        %swap3A_230 = tpu.vector_load %arg14[%swap3A_228, %swap3A_229] {strides = array<i32>} : memref<16x256xf32, #tpu.memory_space<vmem>>, vector<1x16xf32>,
        %swap3A_231 = vector.shape_cast %swap3A_230 : vector<1x16xf32> to vector<16xf32>
        %swap3A_232 = vector.shape_cast %add3A_227 : vector<16xf32> to vector<1x16xf32>
        tpu.vector_store %arg14[%swap3A_228, %swap3A_229], %swap3A_232 {strides = array<i32>} : memref<16x256xf32, #tpu.memory_space<vmem>>, vector<1x16xf32>,
        %get3A_233 = arith.index_cast %scan3A_138 : i32 to index
        %get3A_234 = arith.constant 64 : index
        %get3A_235 = tpu.vector_load %arg6[%get3A_233, %get3A_234] {strides = array<i32>} : memref<16x128xf32, #tpu.memory_space<vmem>>, vector<1x16xf32>,
        %get3A_236 = vector.shape_cast %get3A_235 : vector<1x16xf32> to vector<16xf32>
        %get3A_237 = arith.index_cast %scan3A_138 : i32 to index
        %get3A_238 = arith.constant 64 : index
        %get3A_239 = tpu.vector_load %arg7[%get3A_237, %get3A_238] {strides = array<i32>} : memref<16x128xf32, #tpu.memory_space<vmem>>, vector<1x16xf32>,
        %get3A_240 = vector.shape_cast %get3A_239 : vector<1x16xf32> to vector<16xf32>
        %sub3A_241 = arith.subf %get3A_236, %get3A_240 : vector<16xf32>
        %get3A_242 = arith.index_cast %scan3A_138 : i32 to index
        %get3A_243 = arith.constant 64 : index
        %get3A_244 = tpu.vector_load %arg8[%get3A_242, %get3A_243] {strides = array<i32>} : memref<16x128xf32, #tpu.memory_space<vmem>>, vector<1x16xf32>,
        %get3A_245 = vector.shape_cast %get3A_244 : vector<1x16xf32> to vector<16xf32>
        %sub3A_246 = arith.subf %sub3A_241, %get3A_245 : vector<16xf32>
        %get3A_247 = arith.index_cast %scan3A_138 : i32 to index
        %get3A_248 = arith.constant 64 : index
        %get3A_249 = tpu.vector_load %arg9[%get3A_247, %get3A_248] {strides = array<i32>} : memref<16x128xf32, #tpu.memory_space<vmem>>, vector<1x16xf32>,
        %get3A_250 = vector.shape_cast %get3A_249 : vector<1x16xf32> to vector<16xf32>
        %add3A_251 = arith.addf %sub3A_246, %get3A_250 : vector<16xf32>
        %swap3A_252 = arith.index_cast %scan3A_138 : i32 to index
        %swap3A_253 = arith.constant 64 : index
        %swap3A_254 = tpu.vector_load %arg14[%swap3A_252, %swap3A_253] {strides = array<i32>} : memref<16x256xf32, #tpu.memory_space<vmem>>, vector<1x16xf32>,
        %swap3A_255 = vector.shape_cast %swap3A_254 : vector<1x16xf32> to vector<16xf32>
        %swap3A_256 = vector.shape_cast %add3A_251 : vector<16xf32> to vector<1x16xf32>
        tpu.vector_store %arg14[%swap3A_252, %swap3A_253], %swap3A_256 {strides = array<i32>} : memref<16x256xf32, #tpu.memory_space<vmem>>, vector<1x16xf32>,
        %get3A_257 = arith.index_cast %scan3A_138 : i32 to index
        %get3A_258 = arith.constant 80 : index
        %get3A_259 = tpu.vector_load %arg6[%get3A_257, %get3A_258] {strides = array<i32>} : memref<16x128xf32, #tpu.memory_space<vmem>>, vector<1x16xf32>,
        %get3A_260 = vector.shape_cast %get3A_259 : vector<1x16xf32> to vector<16xf32>
        %get3A_261 = arith.index_cast %scan3A_138 : i32 to index
        %get3A_262 = arith.constant 80 : index
        %get3A_263 = tpu.vector_load %arg7[%get3A_261, %get3A_262] {strides = array<i32>} : memref<16x128xf32, #tpu.memory_space<vmem>>, vector<1x16xf32>,
        %get3A_264 = vector.shape_cast %get3A_263 : vector<1x16xf32> to vector<16xf32>
        %sub3A_265 = arith.subf %get3A_260, %get3A_264 : vector<16xf32>
        %get3A_266 = arith.index_cast %scan3A_138 : i32 to index
        %get3A_267 = arith.constant 80 : index
        %get3A_268 = tpu.vector_load %arg8[%get3A_266, %get3A_267] {strides = array<i32>} : memref<16x128xf32, #tpu.memory_space<vmem>>, vector<1x16xf32>,
        %get3A_269 = vector.shape_cast %get3A_268 : vector<1x16xf32> to vector<16xf32>
        %sub3A_270 = arith.subf %sub3A_265, %get3A_269 : vector<16xf32>
        %get3A_271 = arith.index_cast %scan3A_138 : i32 to index
        %get3A_272 = arith.constant 80 : index
        %get3A_273 = tpu.vector_load %arg9[%get3A_271, %get3A_272] {strides = array<i32>} : memref<16x128xf32, #tpu.memory_space<vmem>>, vector<1x16xf32>,
        %get3A_274 = vector.shape_cast %get3A_273 : vector<1x16xf32> to vector<16xf32>
        %add3A_275 = arith.addf %sub3A_270, %get3A_274 : vector<16xf32>
        %swap3A_276 = arith.index_cast %scan3A_138 : i32 to index
        %swap3A_277 = arith.constant 80 : index
        %swap3A_278 = tpu.vector_load %arg14[%swap3A_276, %swap3A_277] {strides = array<i32>} : memref<16x256xf32, #tpu.memory_space<vmem>>, vector<1x16xf32>,
        %swap3A_279 = vector.shape_cast %swap3A_278 : vector<1x16xf32> to vector<16xf32>
        %swap3A_280 = vector.shape_cast %add3A_275 : vector<16xf32> to vector<1x16xf32>
        tpu.vector_store %arg14[%swap3A_276, %swap3A_277], %swap3A_280 {strides = array<i32>} : memref<16x256xf32, #tpu.memory_space<vmem>>, vector<1x16xf32>,
        %get3A_281 = arith.index_cast %scan3A_138 : i32 to index
        %get3A_282 = arith.constant 96 : index
        %get3A_283 = tpu.vector_load %arg6[%get3A_281, %get3A_282] {strides = array<i32>} : memref<16x128xf32, #tpu.memory_space<vmem>>, vector<1x16xf32>,
        %get3A_284 = vector.shape_cast %get3A_283 : vector<1x16xf32> to vector<16xf32>
        %get3A_285 = arith.index_cast %scan3A_138 : i32 to index
        %get3A_286 = arith.constant 96 : index
        %get3A_287 = tpu.vector_load %arg7[%get3A_285, %get3A_286] {strides = array<i32>} : memref<16x128xf32, #tpu.memory_space<vmem>>, vector<1x16xf32>,
        %get3A_288 = vector.shape_cast %get3A_287 : vector<1x16xf32> to vector<16xf32>
        %sub3A_289 = arith.subf %get3A_284, %get3A_288 : vector<16xf32>
        %get3A_290 = arith.index_cast %scan3A_138 : i32 to index
        %get3A_291 = arith.constant 96 : index
        %get3A_292 = tpu.vector_load %arg8[%get3A_290, %get3A_291] {strides = array<i32>} : memref<16x128xf32, #tpu.memory_space<vmem>>, vector<1x16xf32>,
        %get3A_293 = vector.shape_cast %get3A_292 : vector<1x16xf32> to vector<16xf32>
        %sub3A_294 = arith.subf %sub3A_289, %get3A_293 : vector<16xf32>
        %get3A_295 = arith.index_cast %scan3A_138 : i32 to index
        %get3A_296 = arith.constant 96 : index
        %get3A_297 = tpu.vector_load %arg9[%get3A_295, %get3A_296] {strides = array<i32>} : memref<16x128xf32, #tpu.memory_space<vmem>>, vector<1x16xf32>,
        %get3A_298 = vector.shape_cast %get3A_297 : vector<1x16xf32> to vector<16xf32>
        %add3A_299 = arith.addf %sub3A_294, %get3A_298 : vector<16xf32>
        %swap3A_300 = arith.index_cast %scan3A_138 : i32 to index
        %swap3A_301 = arith.constant 96 : index
        %swap3A_302 = tpu.vector_load %arg14[%swap3A_300, %swap3A_301] {strides = array<i32>} : memref<16x256xf32, #tpu.memory_space<vmem>>, vector<1x16xf32>,
        %swap3A_303 = vector.shape_cast %swap3A_302 : vector<1x16xf32> to vector<16xf32>
        %swap3A_304 = vector.shape_cast %add3A_299 : vector<16xf32> to vector<1x16xf32>
        tpu.vector_store %arg14[%swap3A_300, %swap3A_301], %swap3A_304 {strides = array<i32>} : memref<16x256xf32, #tpu.memory_space<vmem>>, vector<1x16xf32>,
        %get3A_305 = arith.index_cast %scan3A_138 : i32 to index
        %get3A_306 = arith.constant 112 : index
        %get3A_307 = tpu.vector_load %arg6[%get3A_305, %get3A_306] {strides = array<i32>} : memref<16x128xf32, #tpu.memory_space<vmem>>, vector<1x16xf32>,
        %get3A_308 = vector.shape_cast %get3A_307 : vector<1x16xf32> to vector<16xf32>
        %get3A_309 = arith.index_cast %scan3A_138 : i32 to index
        %get3A_310 = arith.constant 112 : index
        %get3A_311 = tpu.vector_load %arg7[%get3A_309, %get3A_310] {strides = array<i32>} : memref<16x128xf32, #tpu.memory_space<vmem>>, vector<1x16xf32>,
        %get3A_312 = vector.shape_cast %get3A_311 : vector<1x16xf32> to vector<16xf32>
        %sub3A_313 = arith.subf %get3A_308, %get3A_312 : vector<16xf32>
        %get3A_314 = arith.index_cast %scan3A_138 : i32 to index
        %get3A_315 = arith.constant 112 : index
        %get3A_316 = tpu.vector_load %arg8[%get3A_314, %get3A_315] {strides = array<i32>} : memref<16x128xf32, #tpu.memory_space<vmem>>, vector<1x16xf32>,
        %get3A_317 = vector.shape_cast %get3A_316 : vector<1x16xf32> to vector<16xf32>
        %sub3A_318 = arith.subf %sub3A_313, %get3A_317 : vector<16xf32>
        %get3A_319 = arith.index_cast %scan3A_138 : i32 to index
        %get3A_320 = arith.constant 112 : index
        %get3A_321 = tpu.vector_load %arg9[%get3A_319, %get3A_320] {strides = array<i32>} : memref<16x128xf32, #tpu.memory_space<vmem>>, vector<1x16xf32>,
        %get3A_322 = vector.shape_cast %get3A_321 : vector<1x16xf32> to vector<16xf32>
        %add3A_323 = arith.addf %sub3A_318, %get3A_322 : vector<16xf32>
        %swap3A_324 = arith.index_cast %scan3A_138 : i32 to index
        %swap3A_325 = arith.constant 112 : index
        %swap3A_326 = tpu.vector_load %arg14[%swap3A_324, %swap3A_325] {strides = array<i32>} : memref<16x256xf32, #tpu.memory_space<vmem>>, vector<1x16xf32>,
        %swap3A_327 = vector.shape_cast %swap3A_326 : vector<1x16xf32> to vector<16xf32>
        %swap3A_328 = vector.shape_cast %add3A_323 : vector<16xf32> to vector<1x16xf32>
        tpu.vector_store %arg14[%swap3A_324, %swap3A_325], %swap3A_328 {strides = array<i32>} : memref<16x256xf32, #tpu.memory_space<vmem>>, vector<1x16xf32>,
        %get3A_329 = arith.index_cast %scan3A_138 : i32 to index
        %get3A_330 = arith.constant 0 : index
        %get3A_331 = tpu.vector_load %arg10[%get3A_329, %get3A_330] {strides = array<i32>} : memref<16x128xf32, #tpu.memory_space<vmem>>, vector<1x16xf32>,
        %get3A_332 = vector.shape_cast %get3A_331 : vector<1x16xf32> to vector<16xf32>
        %get3A_333 = arith.index_cast %scan3A_138 : i32 to index
        %get3A_334 = arith.constant 0 : index
        %get3A_335 = tpu.vector_load %arg11[%get3A_333, %get3A_334] {strides = array<i32>} : memref<16x128xf32, #tpu.memory_space<vmem>>, vector<1x16xf32>,
        %get3A_336 = vector.shape_cast %get3A_335 : vector<1x16xf32> to vector<16xf32>
        %sub3A_337 = arith.subf %get3A_332, %get3A_336 : vector<16xf32>
        %get3A_338 = arith.index_cast %scan3A_138 : i32 to index
        %get3A_339 = arith.constant 0 : index
        %get3A_340 = tpu.vector_load %arg12[%get3A_338, %get3A_339] {strides = array<i32>} : memref<16x128xf32, #tpu.memory_space<vmem>>, vector<1x16xf32>,
        %get3A_341 = vector.shape_cast %get3A_340 : vector<1x16xf32> to vector<16xf32>
        %sub3A_342 = arith.subf %sub3A_337, %get3A_341 : vector<16xf32>
        %get3A_343 = arith.index_cast %scan3A_138 : i32 to index
        %get3A_344 = arith.constant 0 : index
        %get3A_345 = tpu.vector_load %arg13[%get3A_343, %get3A_344] {strides = array<i32>} : memref<16x128xf32, #tpu.memory_space<vmem>>, vector<1x16xf32>,
        %get3A_346 = vector.shape_cast %get3A_345 : vector<1x16xf32> to vector<16xf32>
        %add3A_347 = arith.addf %sub3A_342, %get3A_346 : vector<16xf32>
        %swap3A_348 = arith.index_cast %scan3A_138 : i32 to index
        %swap3A_349 = arith.constant 128 : index
        %swap3A_350 = tpu.vector_load %arg14[%swap3A_348, %swap3A_349] {strides = array<i32>} : memref<16x256xf32, #tpu.memory_space<vmem>>, vector<1x16xf32>,
        %swap3A_351 = vector.shape_cast %swap3A_350 : vector<1x16xf32> to vector<16xf32>
        %swap3A_352 = vector.shape_cast %add3A_347 : vector<16xf32> to vector<1x16xf32>
        tpu.vector_store %arg14[%swap3A_348, %swap3A_349], %swap3A_352 {strides = array<i32>} : memref<16x256xf32, #tpu.memory_space<vmem>>, vector<1x16xf32>,
        %get3A_353 = arith.index_cast %scan3A_138 : i32 to index
        %get3A_354 = arith.constant 16 : index
        %get3A_355 = tpu.vector_load %arg10[%get3A_353, %get3A_354] {strides = array<i32>} : memref<16x128xf32, #tpu.memory_space<vmem>>, vector<1x16xf32>,
        %get3A_356 = vector.shape_cast %get3A_355 : vector<1x16xf32> to vector<16xf32>
        %get3A_357 = arith.index_cast %scan3A_138 : i32 to index
        %get3A_358 = arith.constant 16 : index
        %get3A_359 = tpu.vector_load %arg11[%get3A_357, %get3A_358] {strides = array<i32>} : memref<16x128xf32, #tpu.memory_space<vmem>>, vector<1x16xf32>,
        %get3A_360 = vector.shape_cast %get3A_359 : vector<1x16xf32> to vector<16xf32>
        %sub3A_361 = arith.subf %get3A_356, %get3A_360 : vector<16xf32>
        %get3A_362 = arith.index_cast %scan3A_138 : i32 to index
        %get3A_363 = arith.constant 16 : index
        %get3A_364 = tpu.vector_load %arg12[%get3A_362, %get3A_363] {strides = array<i32>} : memref<16x128xf32, #tpu.memory_space<vmem>>, vector<1x16xf32>,
        %get3A_365 = vector.shape_cast %get3A_364 : vector<1x16xf32> to vector<16xf32>
        %sub3A_366 = arith.subf %sub3A_361, %get3A_365 : vector<16xf32>
        %get3A_367 = arith.index_cast %scan3A_138 : i32 to index
        %get3A_368 = arith.constant 16 : index
        %get3A_369 = tpu.vector_load %arg13[%get3A_367, %get3A_368] {strides = array<i32>} : memref<16x128xf32, #tpu.memory_space<vmem>>, vector<1x16xf32>,
        %get3A_370 = vector.shape_cast %get3A_369 : vector<1x16xf32> to vector<16xf32>
        %add3A_371 = arith.addf %sub3A_366, %get3A_370 : vector<16xf32>
        %swap3A_372 = arith.index_cast %scan3A_138 : i32 to index
        %swap3A_373 = arith.constant 144 : index
        %swap3A_374 = tpu.vector_load %arg14[%swap3A_372, %swap3A_373] {strides = array<i32>} : memref<16x256xf32, #tpu.memory_space<vmem>>, vector<1x16xf32>,
        %swap3A_375 = vector.shape_cast %swap3A_374 : vector<1x16xf32> to vector<16xf32>
        %swap3A_376 = vector.shape_cast %add3A_371 : vector<16xf32> to vector<1x16xf32>
        tpu.vector_store %arg14[%swap3A_372, %swap3A_373], %swap3A_376 {strides = array<i32>} : memref<16x256xf32, #tpu.memory_space<vmem>>, vector<1x16xf32>,
        %get3A_377 = arith.index_cast %scan3A_138 : i32 to index
        %get3A_378 = arith.constant 32 : index
        %get3A_379 = tpu.vector_load %arg10[%get3A_377, %get3A_378] {strides = array<i32>} : memref<16x128xf32, #tpu.memory_space<vmem>>, vector<1x16xf32>,
        %get3A_380 = vector.shape_cast %get3A_379 : vector<1x16xf32> to vector<16xf32>
        %get3A_381 = arith.index_cast %scan3A_138 : i32 to index
        %get3A_382 = arith.constant 32 : index
        %get3A_383 = tpu.vector_load %arg11[%get3A_381, %get3A_382] {strides = array<i32>} : memref<16x128xf32, #tpu.memory_space<vmem>>, vector<1x16xf32>,
        %get3A_384 = vector.shape_cast %get3A_383 : vector<1x16xf32> to vector<16xf32>
        %sub3A_385 = arith.subf %get3A_380, %get3A_384 : vector<16xf32>
        %get3A_386 = arith.index_cast %scan3A_138 : i32 to index
        %get3A_387 = arith.constant 32 : index
        %get3A_388 = tpu.vector_load %arg12[%get3A_386, %get3A_387] {strides = array<i32>} : memref<16x128xf32, #tpu.memory_space<vmem>>, vector<1x16xf32>,
        %get3A_389 = vector.shape_cast %get3A_388 : vector<1x16xf32> to vector<16xf32>
        %sub3A_390 = arith.subf %sub3A_385, %get3A_389 : vector<16xf32>
        %get3A_391 = arith.index_cast %scan3A_138 : i32 to index
        %get3A_392 = arith.constant 32 : index
        %get3A_393 = tpu.vector_load %arg13[%get3A_391, %get3A_392] {strides = array<i32>} : memref<16x128xf32, #tpu.memory_space<vmem>>, vector<1x16xf32>,
        %get3A_394 = vector.shape_cast %get3A_393 : vector<1x16xf32> to vector<16xf32>
        %add3A_395 = arith.addf %sub3A_390, %get3A_394 : vector<16xf32>
        %swap3A_396 = arith.index_cast %scan3A_138 : i32 to index
        %swap3A_397 = arith.constant 160 : index
        %swap3A_398 = tpu.vector_load %arg14[%swap3A_396, %swap3A_397] {strides = array<i32>} : memref<16x256xf32, #tpu.memory_space<vmem>>, vector<1x16xf32>,
        %swap3A_399 = vector.shape_cast %swap3A_398 : vector<1x16xf32> to vector<16xf32>
        %swap3A_400 = vector.shape_cast %add3A_395 : vector<16xf32> to vector<1x16xf32>
        tpu.vector_store %arg14[%swap3A_396, %swap3A_397], %swap3A_400 {strides = array<i32>} : memref<16x256xf32, #tpu.memory_space<vmem>>, vector<1x16xf32>,
        %get3A_401 = arith.index_cast %scan3A_138 : i32 to index
        %get3A_402 = arith.constant 48 : index
        %get3A_403 = tpu.vector_load %arg10[%get3A_401, %get3A_402] {strides = array<i32>} : memref<16x128xf32, #tpu.memory_space<vmem>>, vector<1x16xf32>,
        %get3A_404 = vector.shape_cast %get3A_403 : vector<1x16xf32> to vector<16xf32>
        %get3A_405 = arith.index_cast %scan3A_138 : i32 to index
        %get3A_406 = arith.constant 48 : index
        %get3A_407 = tpu.vector_load %arg11[%get3A_405, %get3A_406] {strides = array<i32>} : memref<16x128xf32, #tpu.memory_space<vmem>>, vector<1x16xf32>,
        %get3A_408 = vector.shape_cast %get3A_407 : vector<1x16xf32> to vector<16xf32>
        %sub3A_409 = arith.subf %get3A_404, %get3A_408 : vector<16xf32>
        %get3A_410 = arith.index_cast %scan3A_138 : i32 to index
        %get3A_411 = arith.constant 48 : index
        %get3A_412 = tpu.vector_load %arg12[%get3A_410, %get3A_411] {strides = array<i32>} : memref<16x128xf32, #tpu.memory_space<vmem>>, vector<1x16xf32>,
        %get3A_413 = vector.shape_cast %get3A_412 : vector<1x16xf32> to vector<16xf32>
        %sub3A_414 = arith.subf %sub3A_409, %get3A_413 : vector<16xf32>
        %get3A_415 = arith.index_cast %scan3A_138 : i32 to index
        %get3A_416 = arith.constant 48 : index
        %get3A_417 = tpu.vector_load %arg13[%get3A_415, %get3A_416] {strides = array<i32>} : memref<16x128xf32, #tpu.memory_space<vmem>>, vector<1x16xf32>,
        %get3A_418 = vector.shape_cast %get3A_417 : vector<1x16xf32> to vector<16xf32>
        %add3A_419 = arith.addf %sub3A_414, %get3A_418 : vector<16xf32>
        %swap3A_420 = arith.index_cast %scan3A_138 : i32 to index
        %swap3A_421 = arith.constant 176 : index
        %swap3A_422 = tpu.vector_load %arg14[%swap3A_420, %swap3A_421] {strides = array<i32>} : memref<16x256xf32, #tpu.memory_space<vmem>>, vector<1x16xf32>,
        %swap3A_423 = vector.shape_cast %swap3A_422 : vector<1x16xf32> to vector<16xf32>
        %swap3A_424 = vector.shape_cast %add3A_419 : vector<16xf32> to vector<1x16xf32>
        tpu.vector_store %arg14[%swap3A_420, %swap3A_421], %swap3A_424 {strides = array<i32>} : memref<16x256xf32, #tpu.memory_space<vmem>>, vector<1x16xf32>,
        %get3A_425 = arith.index_cast %scan3A_138 : i32 to index
        %get3A_426 = arith.constant 64 : index
        %get3A_427 = tpu.vector_load %arg10[%get3A_425, %get3A_426] {strides = array<i32>} : memref<16x128xf32, #tpu.memory_space<vmem>>, vector<1x16xf32>,
        %get3A_428 = vector.shape_cast %get3A_427 : vector<1x16xf32> to vector<16xf32>
        %get3A_429 = arith.index_cast %scan3A_138 : i32 to index
        %get3A_430 = arith.constant 64 : index
        %get3A_431 = tpu.vector_load %arg11[%get3A_429, %get3A_430] {strides = array<i32>} : memref<16x128xf32, #tpu.memory_space<vmem>>, vector<1x16xf32>,
        %get3A_432 = vector.shape_cast %get3A_431 : vector<1x16xf32> to vector<16xf32>
        %sub3A_433 = arith.subf %get3A_428, %get3A_432 : vector<16xf32>
        %get3A_434 = arith.index_cast %scan3A_138 : i32 to index
        %get3A_435 = arith.constant 64 : index
        %get3A_436 = tpu.vector_load %arg12[%get3A_434, %get3A_435] {strides = array<i32>} : memref<16x128xf32, #tpu.memory_space<vmem>>, vector<1x16xf32>,
        %get3A_437 = vector.shape_cast %get3A_436 : vector<1x16xf32> to vector<16xf32>
        %sub3A_438 = arith.subf %sub3A_433, %get3A_437 : vector<16xf32>
        %get3A_439 = arith.index_cast %scan3A_138 : i32 to index
        %get3A_440 = arith.constant 64 : index
        %get3A_441 = tpu.vector_load %arg13[%get3A_439, %get3A_440] {strides = array<i32>} : memref<16x128xf32, #tpu.memory_space<vmem>>, vector<1x16xf32>,
        %get3A_442 = vector.shape_cast %get3A_441 : vector<1x16xf32> to vector<16xf32>
        %add3A_443 = arith.addf %sub3A_438, %get3A_442 : vector<16xf32>
        %swap3A_444 = arith.index_cast %scan3A_138 : i32 to index
        %swap3A_445 = arith.constant 192 : index
        %swap3A_446 = tpu.vector_load %arg14[%swap3A_444, %swap3A_445] {strides = array<i32>} : memref<16x256xf32, #tpu.memory_space<vmem>>, vector<1x16xf32>,
        %swap3A_447 = vector.shape_cast %swap3A_446 : vector<1x16xf32> to vector<16xf32>
        %swap3A_448 = vector.shape_cast %add3A_443 : vector<16xf32> to vector<1x16xf32>
        tpu.vector_store %arg14[%swap3A_444, %swap3A_445], %swap3A_448 {strides = array<i32>} : memref<16x256xf32, #tpu.memory_space<vmem>>, vector<1x16xf32>,
        %get3A_449 = arith.index_cast %scan3A_138 : i32 to index
        %get3A_450 = arith.constant 80 : index
        %get3A_451 = tpu.vector_load %arg10[%get3A_449, %get3A_450] {strides = array<i32>} : memref<16x128xf32, #tpu.memory_space<vmem>>, vector<1x16xf32>,
        %get3A_452 = vector.shape_cast %get3A_451 : vector<1x16xf32> to vector<16xf32>
        %get3A_453 = arith.index_cast %scan3A_138 : i32 to index
        %get3A_454 = arith.constant 80 : index
        %get3A_455 = tpu.vector_load %arg11[%get3A_453, %get3A_454] {strides = array<i32>} : memref<16x128xf32, #tpu.memory_space<vmem>>, vector<1x16xf32>,
        %get3A_456 = vector.shape_cast %get3A_455 : vector<1x16xf32> to vector<16xf32>
        %sub3A_457 = arith.subf %get3A_452, %get3A_456 : vector<16xf32>
        %get3A_458 = arith.index_cast %scan3A_138 : i32 to index
        %get3A_459 = arith.constant 80 : index
        %get3A_460 = tpu.vector_load %arg12[%get3A_458, %get3A_459] {strides = array<i32>} : memref<16x128xf32, #tpu.memory_space<vmem>>, vector<1x16xf32>,
        %get3A_461 = vector.shape_cast %get3A_460 : vector<1x16xf32> to vector<16xf32>
        %sub3A_462 = arith.subf %sub3A_457, %get3A_461 : vector<16xf32>
        %get3A_463 = arith.index_cast %scan3A_138 : i32 to index
        %get3A_464 = arith.constant 80 : index
        %get3A_465 = tpu.vector_load %arg13[%get3A_463, %get3A_464] {strides = array<i32>} : memref<16x128xf32, #tpu.memory_space<vmem>>, vector<1x16xf32>,
        %get3A_466 = vector.shape_cast %get3A_465 : vector<1x16xf32> to vector<16xf32>
        %add3A_467 = arith.addf %sub3A_462, %get3A_466 : vector<16xf32>
        %swap3A_468 = arith.index_cast %scan3A_138 : i32 to index
        %swap3A_469 = arith.constant 208 : index
        %swap3A_470 = tpu.vector_load %arg14[%swap3A_468, %swap3A_469] {strides = array<i32>} : memref<16x256xf32, #tpu.memory_space<vmem>>, vector<1x16xf32>,
        %swap3A_471 = vector.shape_cast %swap3A_470 : vector<1x16xf32> to vector<16xf32>
        %swap3A_472 = vector.shape_cast %add3A_467 : vector<16xf32> to vector<1x16xf32>
        tpu.vector_store %arg14[%swap3A_468, %swap3A_469], %swap3A_472 {strides = array<i32>} : memref<16x256xf32, #tpu.memory_space<vmem>>, vector<1x16xf32>,
        %get3A_473 = arith.index_cast %scan3A_138 : i32 to index
        %get3A_474 = arith.constant 96 : index
        %get3A_475 = tpu.vector_load %arg10[%get3A_473, %get3A_474] {strides = array<i32>} : memref<16x128xf32, #tpu.memory_space<vmem>>, vector<1x16xf32>,
        %get3A_476 = vector.shape_cast %get3A_475 : vector<1x16xf32> to vector<16xf32>
        %get3A_477 = arith.index_cast %scan3A_138 : i32 to index
        %get3A_478 = arith.constant 96 : index
        %get3A_479 = tpu.vector_load %arg11[%get3A_477, %get3A_478] {strides = array<i32>} : memref<16x128xf32, #tpu.memory_space<vmem>>, vector<1x16xf32>,
        %get3A_480 = vector.shape_cast %get3A_479 : vector<1x16xf32> to vector<16xf32>
        %sub3A_481 = arith.subf %get3A_476, %get3A_480 : vector<16xf32>
        %get3A_482 = arith.index_cast %scan3A_138 : i32 to index
        %get3A_483 = arith.constant 96 : index
        %get3A_484 = tpu.vector_load %arg12[%get3A_482, %get3A_483] {strides = array<i32>} : memref<16x128xf32, #tpu.memory_space<vmem>>, vector<1x16xf32>,
        %get3A_485 = vector.shape_cast %get3A_484 : vector<1x16xf32> to vector<16xf32>
        %sub3A_486 = arith.subf %sub3A_481, %get3A_485 : vector<16xf32>
        %get3A_487 = arith.index_cast %scan3A_138 : i32 to index
        %get3A_488 = arith.constant 96 : index
        %get3A_489 = tpu.vector_load %arg13[%get3A_487, %get3A_488] {strides = array<i32>} : memref<16x128xf32, #tpu.memory_space<vmem>>, vector<1x16xf32>,
        %get3A_490 = vector.shape_cast %get3A_489 : vector<1x16xf32> to vector<16xf32>
        %add3A_491 = arith.addf %sub3A_486, %get3A_490 : vector<16xf32>
        %swap3A_492 = arith.index_cast %scan3A_138 : i32 to index
        %swap3A_493 = arith.constant 224 : index
        %swap3A_494 = tpu.vector_load %arg14[%swap3A_492, %swap3A_493] {strides = array<i32>} : memref<16x256xf32, #tpu.memory_space<vmem>>, vector<1x16xf32>,
        %swap3A_495 = vector.shape_cast %swap3A_494 : vector<1x16xf32> to vector<16xf32>
        %swap3A_496 = vector.shape_cast %add3A_491 : vector<16xf32> to vector<1x16xf32>
        tpu.vector_store %arg14[%swap3A_492, %swap3A_493], %swap3A_496 {strides = array<i32>} : memref<16x256xf32, #tpu.memory_space<vmem>>, vector<1x16xf32>,
        %get3A_497 = arith.index_cast %scan3A_138 : i32 to index
        %get3A_498 = arith.constant 112 : index
        %get3A_499 = tpu.vector_load %arg10[%get3A_497, %get3A_498] {strides = array<i32>} : memref<16x128xf32, #tpu.memory_space<vmem>>, vector<1x16xf32>,
        %get3A_500 = vector.shape_cast %get3A_499 : vector<1x16xf32> to vector<16xf32>
        %get3A_501 = arith.index_cast %scan3A_138 : i32 to index
        %get3A_502 = arith.constant 112 : index
        %get3A_503 = tpu.vector_load %arg11[%get3A_501, %get3A_502] {strides = array<i32>} : memref<16x128xf32, #tpu.memory_space<vmem>>, vector<1x16xf32>,
        %get3A_504 = vector.shape_cast %get3A_503 : vector<1x16xf32> to vector<16xf32>
        %sub3A_505 = arith.subf %get3A_500, %get3A_504 : vector<16xf32>
        %get3A_506 = arith.index_cast %scan3A_138 : i32 to index
        %get3A_507 = arith.constant 112 : index
        %get3A_508 = tpu.vector_load %arg12[%get3A_506, %get3A_507] {strides = array<i32>} : memref<16x128xf32, #tpu.memory_space<vmem>>, vector<1x16xf32>,
        %get3A_509 = vector.shape_cast %get3A_508 : vector<1x16xf32> to vector<16xf32>
        %sub3A_510 = arith.subf %sub3A_505, %get3A_509 : vector<16xf32>
        %get3A_511 = arith.index_cast %scan3A_138 : i32 to index
        %get3A_512 = arith.constant 112 : index
        %get3A_513 = tpu.vector_load %arg13[%get3A_511, %get3A_512] {strides = array<i32>} : memref<16x128xf32, #tpu.memory_space<vmem>>, vector<1x16xf32>,
        %get3A_514 = vector.shape_cast %get3A_513 : vector<1x16xf32> to vector<16xf32>
        %add3A_515 = arith.addf %sub3A_510, %get3A_514 : vector<16xf32>
        %swap3A_516 = arith.index_cast %scan3A_138 : i32 to index
        %swap3A_517 = arith.constant 240 : index
        %swap3A_518 = tpu.vector_load %arg14[%swap3A_516, %swap3A_517] {strides = array<i32>} : memref<16x256xf32, #tpu.memory_space<vmem>>, vector<1x16xf32>,
        %swap3A_519 = vector.shape_cast %swap3A_518 : vector<1x16xf32> to vector<16xf32>
        %swap3A_520 = vector.shape_cast %add3A_515 : vector<16xf32> to vector<1x16xf32>
        tpu.vector_store %arg14[%swap3A_516, %swap3A_517], %swap3A_520 {strides = array<i32>} : memref<16x256xf32, #tpu.memory_space<vmem>>, vector<1x16xf32>,
      }
      %scan3A_137 = arith.constant 16 : i32
      "tpu.region"() ({
        %run_scoped3A = tpu.sem_alloc : memref<!tpu.dma_semaphore, #tpu.memory_space<semaphore_mem>>
        %dma_start3A_138 = arith.constant 0 : i32
        %dma_start3A_139 = tpu.memref_slice %arg4[%mul3A_13, %dma_start3A_138] : memref<720x256xf32, #tpu.memory_space<hbm>> -> memref<16x256xf32, #tpu.memory_space<hbm>>
        %dma_start3A_140 = arith.constant 0 : i32
        %dma_start3A_141 = tpu.memref_slice %arg4[%mul3A_13, %dma_start3A_140] : memref<720x256xf32, #tpu.memory_space<hbm>> -> memref<16x256xf32, #tpu.memory_space<hbm>>
        tpu.enqueue_dma source(%arg14 : memref<16x256xf32, #tpu.memory_space<vmem>>) target(%dma_start3A_141 : memref<16x256xf32, #tpu.memory_space<hbm>>) target_semaphore(%run_scoped3A : memref<!tpu.dma_semaphore, #tpu.memory_space<semaphore_mem>>)
        %dma_wait3A_142 = arith.constant 0 : i32
        %dma_wait3A_143 = tpu.memref_slice %arg4[%mul3A_13, %dma_wait3A_142] : memref<720x256xf32, #tpu.memory_space<hbm>> -> memref<16x256xf32, #tpu.memory_space<hbm>>
        %dma_wait3A_144 = arith.constant 0 : i32
        %dma_wait3A_145 = tpu.memref_slice %arg4[%mul3A_13, %dma_wait3A_144] : memref<720x256xf32, #tpu.memory_space<hbm>> -> memref<16x256xf32, #tpu.memory_space<hbm>>
        tpu.wait_dma2 semaphore(%run_scoped3A : memref<!tpu.dma_semaphore, #tpu.memory_space<semaphore_mem>>) src(%arg14 : memref<16x256xf32, #tpu.memory_space<vmem>>) dst(%dma_wait3A_145 : memref<16x256xf32, #tpu.memory_space<hbm>>)
        tpu.yield
      }) : () -> ()
    } else {
    }
    return
  }
}

module attributes {stable_mosaic.version = 14 : i64} {
  func.func @_sat_body(%arg0: i32, %arg1: i32, %arg2: memref<1x1x64x64x128xf32, #tpu.memory_space<vmem>>, %arg3: memref<1x1x65x72x128xf32, #tpu.memory_space<vmem>>) attributes {dimension_semantics = [#tpu.dimension_semantics<arbitrary>, #tpu.dimension_semantics<arbitrary>], iteration_bounds = array<i64: 2, 4>, scalar_prefetch = 0 : i64, scratch_operands = 0 : i64, tpu.core_type = #tpu.core_type<tc>, window_params = [{transform_indices = @transform_0, window_bounds = array<i64: 1, 1, 64, 64, 128>}, {transform_indices = @transform_1, window_bounds = array<i64: 1, 1, 65, 72, 128>}]} {
    %broadcast_in_dim3A = arith.constant 0.000000e+00 : f32
    %broadcast_in_dim3A_0 = vector.broadcast %broadcast_in_dim3A : f32 to vector<72x128xf32>
    %swap3A = arith.constant 0 : index
    %swap3A_1 = arith.constant 0 : index
    %swap3A_2 = arith.constant 0 : index
    %swap3A_3 = arith.constant 0 : index
    %swap3A_4 = arith.constant 0 : index
    %swap3A_5 = vector.load %arg3[%swap3A, %swap3A_1, %swap3A_2, %swap3A_3, %swap3A_4] : memref<1x1x65x72x128xf32, #tpu.memory_space<vmem>>, vector<1x1x1x72x128xf32>
    %swap3A_6 = vector.shape_cast %swap3A_5 : vector<1x1x1x72x128xf32> to vector<72x128xf32>
    %swap3A_7 = vector.shape_cast %broadcast_in_dim3A_0 : vector<72x128xf32> to vector<1x1x1x72x128xf32>
    tpu.vector_store %arg3[%swap3A, %swap3A_1, %swap3A_2, %swap3A_3, %swap3A_4], %swap3A_7 {strides = array<i32>} : memref<1x1x65x72x128xf32, #tpu.memory_space<vmem>>, vector<1x1x1x72x128xf32>,
    %broadcast_in_dim3A_8 = arith.constant 0.000000e+00 : f32
    %broadcast_in_dim3A_9 = vector.broadcast %broadcast_in_dim3A_8 : f32 to vector<64x128xf32>
    %scan3A = arith.constant 0 : i32
    %scan3A_10 = arith.constant 32 : i32
    %scan3A_11 = arith.addi %scan3A, %scan3A_10 : i32
    %scan3A_12 = arith.constant 1 : i32
    %scan3A_13 = scf.for %scan3A_15 = %scan3A to %scan3A_11 step %scan3A_12 iter_args(%scan3A_16 = %broadcast_in_dim3A_9) -> (vector<64x128xf32>)  : i32 {
      %mul3A = arith.constant 2 : i32
      %mul3A_17 = arith.muli %scan3A_15, %mul3A : i32
      %get3A = arith.constant 0 : index
      %get3A_18 = arith.constant 0 : index
      %get3A_19 = arith.index_cast %mul3A_17 : i32 to index
      %get3A_20 = arith.constant 0 : index
      %get3A_21 = arith.constant 0 : index
      %get3A_22 = vector.load %arg2[%get3A, %get3A_18, %get3A_19, %get3A_20, %get3A_21] : memref<1x1x64x64x128xf32, #tpu.memory_space<vmem>>, vector<1x1x1x64x128xf32>
      %get3A_23 = vector.shape_cast %get3A_22 : vector<1x1x1x64x128xf32> to vector<64x128xf32>
      %broadcast_in_dim3A_24 = arith.constant 0.000000e+00 : f32
      %broadcast_in_dim3A_25 = vector.broadcast %broadcast_in_dim3A_24 : f32 to vector<1x128xf32>
      %slice3A = vector.extract_strided_slice %get3A_23 {offsets = [0, 0], sizes = [63, 128], strides = [1, 1]} : vector<64x128xf32> to vector<63x128xf32>
      %concatenate3A = tpu.concatenate %broadcast_in_dim3A_25, %slice3A in 0 : vector<1x128xf32>, vector<63x128xf32> -> vector<64x128xf32>
      %add3A = arith.addf %get3A_23, %concatenate3A : vector<64x128xf32>
      %broadcast_in_dim3A_26 = arith.constant 0.000000e+00 : f32
      %broadcast_in_dim3A_27 = vector.broadcast %broadcast_in_dim3A_26 : f32 to vector<2x128xf32>
      %slice3A_28 = vector.extract_strided_slice %add3A {offsets = [0, 0], sizes = [62, 128], strides = [1, 1]} : vector<64x128xf32> to vector<62x128xf32>
      %concatenate3A_29 = tpu.concatenate %broadcast_in_dim3A_27, %slice3A_28 in 0 : vector<2x128xf32>, vector<62x128xf32> -> vector<64x128xf32>
      %add3A_30 = arith.addf %add3A, %concatenate3A_29 : vector<64x128xf32>
      %broadcast_in_dim3A_31 = arith.constant 0.000000e+00 : f32
      %broadcast_in_dim3A_32 = vector.broadcast %broadcast_in_dim3A_31 : f32 to vector<4x128xf32>
      %slice3A_33 = vector.extract_strided_slice %add3A_30 {offsets = [0, 0], sizes = [60, 128], strides = [1, 1]} : vector<64x128xf32> to vector<60x128xf32>
      %concatenate3A_34 = tpu.concatenate %broadcast_in_dim3A_32, %slice3A_33 in 0 : vector<4x128xf32>, vector<60x128xf32> -> vector<64x128xf32>
      %add3A_35 = arith.addf %add3A_30, %concatenate3A_34 : vector<64x128xf32>
      %broadcast_in_dim3A_36 = arith.constant 0.000000e+00 : f32
      %broadcast_in_dim3A_37 = vector.broadcast %broadcast_in_dim3A_36 : f32 to vector<8x128xf32>
      %slice3A_38 = vector.extract_strided_slice %add3A_35 {offsets = [0, 0], sizes = [56, 128], strides = [1, 1]} : vector<64x128xf32> to vector<56x128xf32>
      %concatenate3A_39 = tpu.concatenate %broadcast_in_dim3A_37, %slice3A_38 in 0 : vector<8x128xf32>, vector<56x128xf32> -> vector<64x128xf32>
      %add3A_40 = arith.addf %add3A_35, %concatenate3A_39 : vector<64x128xf32>
      %broadcast_in_dim3A_41 = arith.constant 0.000000e+00 : f32
      %broadcast_in_dim3A_42 = vector.broadcast %broadcast_in_dim3A_41 : f32 to vector<16x128xf32>
      %slice3A_43 = vector.extract_strided_slice %add3A_40 {offsets = [0, 0], sizes = [48, 128], strides = [1, 1]} : vector<64x128xf32> to vector<48x128xf32>
      %concatenate3A_44 = tpu.concatenate %broadcast_in_dim3A_42, %slice3A_43 in 0 : vector<16x128xf32>, vector<48x128xf32> -> vector<64x128xf32>
      %add3A_45 = arith.addf %add3A_40, %concatenate3A_44 : vector<64x128xf32>
      %broadcast_in_dim3A_46 = arith.constant 0.000000e+00 : f32
      %broadcast_in_dim3A_47 = vector.broadcast %broadcast_in_dim3A_46 : f32 to vector<32x128xf32>
      %slice3A_48 = vector.extract_strided_slice %add3A_45 {offsets = [0, 0], sizes = [32, 128], strides = [1, 1]} : vector<64x128xf32> to vector<32x128xf32>
      %concatenate3A_49 = tpu.concatenate %broadcast_in_dim3A_47, %slice3A_48 in 0 : vector<32x128xf32>, vector<32x128xf32> -> vector<64x128xf32>
      %add3A_50 = arith.addf %add3A_45, %concatenate3A_49 : vector<64x128xf32>
      %add3A_51 = arith.constant 1 : i32
      %add3A_52 = arith.addi %mul3A_17, %add3A_51 : i32
      %get3A_53 = arith.constant 0 : index
      %get3A_54 = arith.constant 0 : index
      %get3A_55 = arith.index_cast %add3A_52 : i32 to index
      %get3A_56 = arith.constant 0 : index
      %get3A_57 = arith.constant 0 : index
      %get3A_58 = vector.load %arg2[%get3A_53, %get3A_54, %get3A_55, %get3A_56, %get3A_57] : memref<1x1x64x64x128xf32, #tpu.memory_space<vmem>>, vector<1x1x1x64x128xf32>
      %get3A_59 = vector.shape_cast %get3A_58 : vector<1x1x1x64x128xf32> to vector<64x128xf32>
      %broadcast_in_dim3A_60 = arith.constant 0.000000e+00 : f32
      %broadcast_in_dim3A_61 = vector.broadcast %broadcast_in_dim3A_60 : f32 to vector<1x128xf32>
      %slice3A_62 = vector.extract_strided_slice %get3A_59 {offsets = [0, 0], sizes = [63, 128], strides = [1, 1]} : vector<64x128xf32> to vector<63x128xf32>
      %concatenate3A_63 = tpu.concatenate %broadcast_in_dim3A_61, %slice3A_62 in 0 : vector<1x128xf32>, vector<63x128xf32> -> vector<64x128xf32>
      %add3A_64 = arith.addf %get3A_59, %concatenate3A_63 : vector<64x128xf32>
      %broadcast_in_dim3A_65 = arith.constant 0.000000e+00 : f32
      %broadcast_in_dim3A_66 = vector.broadcast %broadcast_in_dim3A_65 : f32 to vector<2x128xf32>
      %slice3A_67 = vector.extract_strided_slice %add3A_64 {offsets = [0, 0], sizes = [62, 128], strides = [1, 1]} : vector<64x128xf32> to vector<62x128xf32>
      %concatenate3A_68 = tpu.concatenate %broadcast_in_dim3A_66, %slice3A_67 in 0 : vector<2x128xf32>, vector<62x128xf32> -> vector<64x128xf32>
      %add3A_69 = arith.addf %add3A_64, %concatenate3A_68 : vector<64x128xf32>
      %broadcast_in_dim3A_70 = arith.constant 0.000000e+00 : f32
      %broadcast_in_dim3A_71 = vector.broadcast %broadcast_in_dim3A_70 : f32 to vector<4x128xf32>
      %slice3A_72 = vector.extract_strided_slice %add3A_69 {offsets = [0, 0], sizes = [60, 128], strides = [1, 1]} : vector<64x128xf32> to vector<60x128xf32>
      %concatenate3A_73 = tpu.concatenate %broadcast_in_dim3A_71, %slice3A_72 in 0 : vector<4x128xf32>, vector<60x128xf32> -> vector<64x128xf32>
      %add3A_74 = arith.addf %add3A_69, %concatenate3A_73 : vector<64x128xf32>
      %broadcast_in_dim3A_75 = arith.constant 0.000000e+00 : f32
      %broadcast_in_dim3A_76 = vector.broadcast %broadcast_in_dim3A_75 : f32 to vector<8x128xf32>
      %slice3A_77 = vector.extract_strided_slice %add3A_74 {offsets = [0, 0], sizes = [56, 128], strides = [1, 1]} : vector<64x128xf32> to vector<56x128xf32>
      %concatenate3A_78 = tpu.concatenate %broadcast_in_dim3A_76, %slice3A_77 in 0 : vector<8x128xf32>, vector<56x128xf32> -> vector<64x128xf32>
      %add3A_79 = arith.addf %add3A_74, %concatenate3A_78 : vector<64x128xf32>
      %broadcast_in_dim3A_80 = arith.constant 0.000000e+00 : f32
      %broadcast_in_dim3A_81 = vector.broadcast %broadcast_in_dim3A_80 : f32 to vector<16x128xf32>
      %slice3A_82 = vector.extract_strided_slice %add3A_79 {offsets = [0, 0], sizes = [48, 128], strides = [1, 1]} : vector<64x128xf32> to vector<48x128xf32>
      %concatenate3A_83 = tpu.concatenate %broadcast_in_dim3A_81, %slice3A_82 in 0 : vector<16x128xf32>, vector<48x128xf32> -> vector<64x128xf32>
      %add3A_84 = arith.addf %add3A_79, %concatenate3A_83 : vector<64x128xf32>
      %broadcast_in_dim3A_85 = arith.constant 0.000000e+00 : f32
      %broadcast_in_dim3A_86 = vector.broadcast %broadcast_in_dim3A_85 : f32 to vector<32x128xf32>
      %slice3A_87 = vector.extract_strided_slice %add3A_84 {offsets = [0, 0], sizes = [32, 128], strides = [1, 1]} : vector<64x128xf32> to vector<32x128xf32>
      %concatenate3A_88 = tpu.concatenate %broadcast_in_dim3A_86, %slice3A_87 in 0 : vector<32x128xf32>, vector<32x128xf32> -> vector<64x128xf32>
      %add3A_89 = arith.addf %add3A_84, %concatenate3A_88 : vector<64x128xf32>
      %add3A_90 = arith.addf %scan3A_16, %add3A_50 : vector<64x128xf32>
      %add3A_91 = arith.addf %add3A_90, %add3A_89 : vector<64x128xf32>
      %broadcast_in_dim3A_92 = arith.constant 0.000000e+00 : f32
      %broadcast_in_dim3A_93 = vector.broadcast %broadcast_in_dim3A_92 : f32 to vector<1x128xf32>
      %broadcast_in_dim3A_94 = arith.constant 0.000000e+00 : f32
      %broadcast_in_dim3A_95 = vector.broadcast %broadcast_in_dim3A_94 : f32 to vector<7x128xf32>
      %concatenate3A_96 = tpu.concatenate %broadcast_in_dim3A_93, %add3A_90, %broadcast_in_dim3A_95 in 0 : vector<1x128xf32>, vector<64x128xf32>, vector<7x128xf32> -> vector<72x128xf32>
      %add3A_97 = arith.constant 1 : i32
      %add3A_98 = arith.addi %mul3A_17, %add3A_97 : i32
      %swap3A_99 = arith.constant 0 : index
      %swap3A_100 = arith.constant 0 : index
      %swap3A_101 = arith.index_cast %add3A_98 : i32 to index
      %swap3A_102 = arith.constant 0 : index
      %swap3A_103 = arith.constant 0 : index
      %swap3A_104 = vector.load %arg3[%swap3A_99, %swap3A_100, %swap3A_101, %swap3A_102, %swap3A_103] : memref<1x1x65x72x128xf32, #tpu.memory_space<vmem>>, vector<1x1x1x72x128xf32>
      %swap3A_105 = vector.shape_cast %swap3A_104 : vector<1x1x1x72x128xf32> to vector<72x128xf32>
      %swap3A_106 = vector.shape_cast %concatenate3A_96 : vector<72x128xf32> to vector<1x1x1x72x128xf32>
      tpu.vector_store %arg3[%swap3A_99, %swap3A_100, %swap3A_101, %swap3A_102, %swap3A_103], %swap3A_106 {strides = array<i32>} : memref<1x1x65x72x128xf32, #tpu.memory_space<vmem>>, vector<1x1x1x72x128xf32>,
      %broadcast_in_dim3A_107 = arith.constant 0.000000e+00 : f32
      %broadcast_in_dim3A_108 = vector.broadcast %broadcast_in_dim3A_107 : f32 to vector<1x128xf32>
      %broadcast_in_dim3A_109 = arith.constant 0.000000e+00 : f32
      %broadcast_in_dim3A_110 = vector.broadcast %broadcast_in_dim3A_109 : f32 to vector<7x128xf32>
      %concatenate3A_111 = tpu.concatenate %broadcast_in_dim3A_108, %add3A_91, %broadcast_in_dim3A_110 in 0 : vector<1x128xf32>, vector<64x128xf32>, vector<7x128xf32> -> vector<72x128xf32>
      %add3A_112 = arith.constant 2 : i32
      %add3A_113 = arith.addi %mul3A_17, %add3A_112 : i32
      %swap3A_114 = arith.constant 0 : index
      %swap3A_115 = arith.constant 0 : index
      %swap3A_116 = arith.index_cast %add3A_113 : i32 to index
      %swap3A_117 = arith.constant 0 : index
      %swap3A_118 = arith.constant 0 : index
      %swap3A_119 = vector.load %arg3[%swap3A_114, %swap3A_115, %swap3A_116, %swap3A_117, %swap3A_118] : memref<1x1x65x72x128xf32, #tpu.memory_space<vmem>>, vector<1x1x1x72x128xf32>
      %swap3A_120 = vector.shape_cast %swap3A_119 : vector<1x1x1x72x128xf32> to vector<72x128xf32>
      %swap3A_121 = vector.shape_cast %concatenate3A_111 : vector<72x128xf32> to vector<1x1x1x72x128xf32>
      tpu.vector_store %arg3[%swap3A_114, %swap3A_115, %swap3A_116, %swap3A_117, %swap3A_118], %swap3A_121 {strides = array<i32>} : memref<1x1x65x72x128xf32, #tpu.memory_space<vmem>>, vector<1x1x1x72x128xf32>,
      scf.yield %add3A_91 : vector<64x128xf32>
    }
    %scan3A_14 = arith.constant 32 : i32
    return
  }
  func.func @transform_0(%arg0: i32, %arg1: i32) -> (i32, i32, i32, i32, i32) {
    %c0_i32 = arith.constant 0 : i32
    %c0_i32_0 = arith.constant 0 : i32
    %c0_i32_1 = arith.constant 0 : i32
    %c0_i32_2 = arith.constant 0 : i32
    return %arg0, %arg1, %c0_i32, %c0_i32_0, %c0_i32_1 : i32, i32, i32, i32, i32
  }
  func.func @transform_1(%arg0: i32, %arg1: i32) -> (i32, i32, i32, i32, i32) {
    %c0_i32 = arith.constant 0 : i32
    %c0_i32_0 = arith.constant 0 : i32
    %c0_i32_1 = arith.constant 0 : i32
    %c0_i32_2 = arith.constant 0 : i32
    return %arg0, %arg1, %c0_i32, %c0_i32_0, %c0_i32_1 : i32, i32, i32, i32, i32
  }
}

module attributes {stable_mosaic.version = 14 : i64} {
  func.func @_seg_body(%arg0: i32, %arg1: memref<1x100x256xf32, #tpu.memory_space<vmem>>, %arg2: memref<1x80x256xf32, #tpu.memory_space<vmem>>, %arg3: memref<1x4x100xf32, #tpu.memory_space<vmem>>, %arg4: memref<1x1x100xi32, #tpu.memory_space<vmem>>, %arg5: memref<1x80x256xf32, #tpu.memory_space<vmem>>) attributes {dimension_semantics = [#tpu.dimension_semantics<arbitrary>], iteration_bounds = array<i64: 4>, scalar_prefetch = 0 : i64, scratch_operands = 0 : i64, tpu.core_type = #tpu.core_type<tc>, window_params = [{transform_indices = @transform_0, window_bounds = array<i64: 1, 100, 256>}, {transform_indices = @transform_1, window_bounds = array<i64: 1, 80, 256>}, {transform_indices = @transform_2, window_bounds = array<i64: 1, 4, 100>}, {transform_indices = @transform_3, window_bounds = array<i64: 1, 1, 100>}, {transform_indices = @transform_4, window_bounds = array<i64: 1, 80, 256>}]} {
    %get3A = arith.constant 0 : index
    %get3A_0 = arith.constant 0 : index
    %get3A_1 = arith.constant 0 : index
    %get3A_2 = vector.load %arg3[%get3A, %get3A_0, %get3A_1] : memref<1x4x100xf32, #tpu.memory_space<vmem>>, vector<1x4x100xf32>
    %get3A_3 = vector.shape_cast %get3A_2 : vector<1x4x100xf32> to vector<4x100xf32>
    %slice3A = vector.extract_strided_slice %get3A_3 {offsets = [0, 0], sizes = [1, 100], strides = [1, 1]} : vector<4x100xf32> to vector<1x100xf32>
    %mul3A = arith.constant 6.250000e-02 : f32
    %mul3A_4 = vector.broadcast %mul3A : f32 to vector<1x100xf32>
    %mul3A_5 = arith.mulf %slice3A, %mul3A_4 : vector<1x100xf32>
    %floor3A = math.floor %mul3A_5 : vector<1x100xf32>
    %slice3A_6 = vector.extract_strided_slice %get3A_3 {offsets = [1, 0], sizes = [1, 100], strides = [1, 1]} : vector<4x100xf32> to vector<1x100xf32>
    %mul3A_7 = arith.constant 6.250000e-02 : f32
    %mul3A_8 = vector.broadcast %mul3A_7 : f32 to vector<1x100xf32>
    %mul3A_9 = arith.mulf %slice3A_6, %mul3A_8 : vector<1x100xf32>
    %floor3A_10 = math.floor %mul3A_9 : vector<1x100xf32>
    %slice3A_11 = vector.extract_strided_slice %get3A_3 {offsets = [2, 0], sizes = [1, 100], strides = [1, 1]} : vector<4x100xf32> to vector<1x100xf32>
    %mul3A_12 = arith.constant 6.250000e-02 : f32
    %mul3A_13 = vector.broadcast %mul3A_12 : f32 to vector<1x100xf32>
    %mul3A_14 = arith.mulf %slice3A_11, %mul3A_13 : vector<1x100xf32>
    %floor3A_15 = math.floor %mul3A_14 : vector<1x100xf32>
    %slice3A_16 = vector.extract_strided_slice %get3A_3 {offsets = [3, 0], sizes = [1, 100], strides = [1, 1]} : vector<4x100xf32> to vector<1x100xf32>
    %mul3A_17 = arith.constant 6.250000e-02 : f32
    %mul3A_18 = vector.broadcast %mul3A_17 : f32 to vector<1x100xf32>
    %mul3A_19 = arith.mulf %slice3A_16, %mul3A_18 : vector<1x100xf32>
    %floor3A_20 = math.floor %mul3A_19 : vector<1x100xf32>
    %sub3A = arith.subf %floor3A_15, %floor3A : vector<1x100xf32>
    %sub3A_21 = arith.subf %floor3A_20, %floor3A_10 : vector<1x100xf32>
    %mul3A_22 = arith.mulf %sub3A, %sub3A_21 : vector<1x100xf32>
    %gt3A = arith.constant 0.000000e+00 : f32
    %gt3A_23 = vector.broadcast %gt3A : f32 to vector<1x100xf32>
    %gt3A_24 = arith.cmpf ogt, %mul3A_22, %gt3A_23 : vector<1x100xf32>
    %convert_element_type3A = arith.extui %gt3A_24 : vector<1x100xi1> to vector<1x100xi32>
    %convert_element_type3A_25 = arith.sitofp %convert_element_type3A : vector<1x100xi32> to vector<1x100xf32>
    %max3A = arith.constant 1.000000e+00 : f32
    %max3A_26 = vector.broadcast %max3A : f32 to vector<1x100xf32>
    %max3A_27 = arith.maximumf %mul3A_22, %max3A_26 : vector<1x100xf32>
    %div3A = arith.divf %convert_element_type3A_25, %max3A_27 : vector<1x100xf32>
    %get3A_28 = arith.constant 0 : index
    %get3A_29 = arith.constant 0 : index
    %get3A_30 = arith.constant 0 : index
    %get3A_31 = vector.load %arg4[%get3A_28, %get3A_29, %get3A_30] : memref<1x1x100xi32, #tpu.memory_space<vmem>>, vector<1x1x100xi32>
    %get3A_32 = vector.shape_cast %get3A_31 : vector<1x1x100xi32> to vector<1x100xi32>
    %iota3A = tpu.iota {dimensions = array<i32: 0>} : vector<80x100xi32>
    %eq3A = vector.broadcast %get3A_32 : vector<1x100xi32> to vector<80x100xi32>
    %eq3A_33 = arith.cmpi eq, %iota3A, %eq3A : vector<80x100xi32>
    %convert_element_type3A_34 = arith.extui %eq3A_33 : vector<80x100xi1> to vector<80x100xi32>
    %convert_element_type3A_35 = arith.sitofp %convert_element_type3A_34 : vector<80x100xi32> to vector<80x100xf32>
    %mul3A_36 = vector.broadcast %convert_element_type3A_25 : vector<1x100xf32> to vector<80x100xf32>
    %mul3A_37 = arith.mulf %convert_element_type3A_35, %mul3A_36 : vector<80x100xf32>
    %reduce_sum3A = arith.constant dense<0.000000e+00> : vector<80xf32>
    %reduce_sum3A_38 = vector.multi_reduction <add>, %mul3A_37, %reduce_sum3A [1] : vector<80x100xf32> to vector<80xf32>
    %broadcast_in_dim3A = vector.shape_cast %reduce_sum3A_38 : vector<80xf32> to vector<80x1xf32>
    %mul3A_39 = vector.broadcast %div3A : vector<1x100xf32> to vector<80x100xf32>
    %mul3A_40 = arith.mulf %convert_element_type3A_35, %mul3A_39 : vector<80x100xf32>
    %get3A_41 = arith.constant 0 : index
    %get3A_42 = arith.constant 0 : index
    %get3A_43 = arith.constant 0 : index
    %get3A_44 = vector.load %arg1[%get3A_41, %get3A_42, %get3A_43] : memref<1x100x256xf32, #tpu.memory_space<vmem>>, vector<1x100x256xf32>
    %get3A_45 = vector.shape_cast %get3A_44 : vector<1x100x256xf32> to vector<100x256xf32>
    %dot_general3A = arith.constant dense<0.000000e+00> : vector<80x256xf32>
    %dot_general3A_46 = tpu.matmul %mul3A_40, %get3A_45, %dot_general3A {dimension_numbers = #tpu.dot_dimension_numbers<[1], [0], [0], [1], [0, 0, 1, 1], [], []>, precision = #tpu.contract_precision<fp32>, transpose_lhs_hint = false} : vector<80x100xf32>, vector<100x256xf32>, vector<80x256xf32> -> vector<80x256xf32>
    %max3A_47 = arith.constant 1.000000e+00 : f32
    %max3A_48 = vector.broadcast %max3A_47 : f32 to vector<80x1xf32>
    %max3A_49 = arith.maximumf %broadcast_in_dim3A, %max3A_48 : vector<80x1xf32>
    %div3A_50 = vector.broadcast %max3A_49 : vector<80x1xf32> to vector<80x256xf32>
    %div3A_51 = arith.divf %dot_general3A_46, %div3A_50 : vector<80x256xf32>
    %gt3A_52 = arith.constant 0.000000e+00 : f32
    %gt3A_53 = vector.broadcast %gt3A_52 : f32 to vector<80x1xf32>
    %gt3A_54 = arith.cmpf ogt, %broadcast_in_dim3A, %gt3A_53 : vector<80x1xf32>
    %get3A_55 = arith.constant 0 : index
    %get3A_56 = arith.constant 0 : index
    %get3A_57 = arith.constant 0 : index
    %get3A_58 = vector.load %arg2[%get3A_55, %get3A_56, %get3A_57] : memref<1x80x256xf32, #tpu.memory_space<vmem>>, vector<1x80x256xf32>
    %get3A_59 = vector.shape_cast %get3A_58 : vector<1x80x256xf32> to vector<80x256xf32>
    %broadcast_in_dim3A_60 = vector.shape_cast %gt3A_54 : vector<80x1xi1> to vector<80x1xi1>
    %broadcast_in_dim3A_61 = vector.broadcast %broadcast_in_dim3A_60 : vector<80x1xi1> to vector<80x256xi1>
    %select_n3A = arith.select %broadcast_in_dim3A_61, %div3A_51, %get3A_59 : vector<80x256xi1>, vector<80x256xf32>
    %swap3A = arith.constant 0 : index
    %swap3A_62 = arith.constant 0 : index
    %swap3A_63 = arith.constant 0 : index
    %swap3A_64 = vector.load %arg5[%swap3A, %swap3A_62, %swap3A_63] : memref<1x80x256xf32, #tpu.memory_space<vmem>>, vector<1x80x256xf32>
    %swap3A_65 = vector.shape_cast %swap3A_64 : vector<1x80x256xf32> to vector<80x256xf32>
    %swap3A_66 = vector.shape_cast %select_n3A : vector<80x256xf32> to vector<1x80x256xf32>
    tpu.vector_store %arg5[%swap3A, %swap3A_62, %swap3A_63], %swap3A_66 {strides = array<i32>} : memref<1x80x256xf32, #tpu.memory_space<vmem>>, vector<1x80x256xf32>,
    return
  }
  func.func @transform_0(%arg0: i32) -> (i32, i32, i32) {
    %c0_i32 = arith.constant 0 : i32
    %c0_i32_0 = arith.constant 0 : i32
    %c0_i32_1 = arith.constant 0 : i32
    return %arg0, %c0_i32, %c0_i32_0 : i32, i32, i32
  }
  func.func @transform_1(%arg0: i32) -> (i32, i32, i32) {
    %c0_i32 = arith.constant 0 : i32
    %c0_i32_0 = arith.constant 0 : i32
    %c0_i32_1 = arith.constant 0 : i32
    return %arg0, %c0_i32, %c0_i32_0 : i32, i32, i32
  }
  func.func @transform_2(%arg0: i32) -> (i32, i32, i32) {
    %c0_i32 = arith.constant 0 : i32
    %c0_i32_0 = arith.constant 0 : i32
    %c0_i32_1 = arith.constant 0 : i32
    return %arg0, %c0_i32, %c0_i32_0 : i32, i32, i32
  }
  func.func @transform_3(%arg0: i32) -> (i32, i32, i32) {
    %c0_i32 = arith.constant 0 : i32
    %c0_i32_0 = arith.constant 0 : i32
    %c0_i32_1 = arith.constant 0 : i32
    return %arg0, %c0_i32, %c0_i32_0 : i32, i32, i32
  }
  func.func @transform_4(%arg0: i32) -> (i32, i32, i32) {
    %c0_i32 = arith.constant 0 : i32
    %c0_i32_0 = arith.constant 0 : i32
    %c0_i32_1 = arith.constant 0 : i32
    return %arg0, %c0_i32, %c0_i32_0 : i32, i32, i32
  }
}

</mosaic_0001>

<sc_bundles>
// kernel: kernel.5.cloned.1.call-start
scs
__scs_entry_jumppad:
0x0: {  	(pc) =	sbr.rel $0x88, $3  }
0x1: {  	(tag) =	ssettag $0x0;
	lr =	simm.s32 $0x1  }
0x2: {  	[smem:$0x3F9E] =	sst lr;
	_ =	strace $0xD0000000  }
0x3: {  	_ = 	snop  }
0x4: {  	_ = 	snop  }
0x5: {  	_ = 	snop  }
0x6: {  	_ = 	snop  }
0x7: {  	_ = 	snop  }
__scs_overlays_trampoline_lowered:
0x8: {  	[smem:$0x3FAD] =	sst s0  }
0x9: {  	[smem:$0x3FAE] =	sst s1  }
0xa: {  	[smem:$0x3FAF] =	sst s2  }
0xb: {  	[smem:$0x3FB0] =	sst s3  }
0xc: {  	[smem:$0x3FB1] =	sst s4  }
0xd: {  	[smem:$0x3FB2] =	sst s5  }
0xe: {  	[smem:$0x3FB3] =	sst s6  }
0xf: {  	[smem:$0x3FB4] =	sst s7  }
0x10: {  	[smem:$0x3FB5] =	sst s8  }
0x11: {  	[smem:$0x3FB6] =	sst s9;
	s0 =	simm.s32 @!p0 $0x0  }
0x12: {  	s1 =	sld [smem:$0x3F9C];
	s0 =	simm.s32 @p0 $0x1  }
0x13: {  	[smem:$0x3FB7] =	sst s0;
	s0 =	simm.s32 @!p1 $0x0  }
0x14: {  	s2 =	sld [smem:$0x3F9B];
	s0 =	simm.s32 @p1 $0x1  }
0x15: {  	[smem:$0x3FB8] =	sst s0;
	s0 =	simm.s32 @!p2 $0x0  }
0x16: {  	s3 =	sld [smem:$0x3FDB];
	s0 =	simm.s32 @p2 $0x1  }
0x17: {  	s4 =	simm.s32 $0x1BF5;
	[smem:$0x3FBA] =	sst s0  }
0x18: {  	s0 =	sld [smem:$0x3F9D];
	_ =	swait.ge [sflag:s4], $0x0  }
0x19: {  	s7 =	sld [smem:$0x3F9E]  }
0x1a: {  	s8 =	sadd.s32 $0xFFFFE003, lr  }
0x1b: {  	s9 =	sadd.s32 $0xFFFFFEF7, lr;
	s5 =	simm.s32 $0xFFFFFFFF;
	p2 =	slt.u32 s8, $0xFFFFF086  }
0x1c: {  	p1 =	slt.u32 s9, $0xF7A;
	s5 =	simm.s32 @!p2 $0x0  }
0x1d: {  	s5 =	simm.s32 @p1 $0x1;
	p0 =	seq.s32 s7, s2  }
0x1e: {  	s7 =	smul.u32 @!p0 $0xF7A, s2;
	p2 =	seq.s32 @!p0 s5, $0x0  }
0x1f: {  	s9 =	smul.u32 $0xF7A, s1;
	s8 =	simm.s32 @!p0 $0x1BF5;
	p2 =	por !p2, p0  }
0x20: {  	[sflag:s8] =	ssyncset.s32 @!p0 $0xFFFFF086;
	s6 =	sadd.s32 @!p0 s3, s7;
	s7 =	simm.s32 @!p0 $0x108  }
0x21: {  	s3 =	sadd.s32 s3, s9;
	s6 =	sadd.s32 @!p0 $0x88, s6;
	s7 =	simm.s32 @p2 $0x1082  }
0x22: {  	[simem:s7], [sflag:s8] =	dma.local @!p0 [hbm:s6], $0xF7A  }
0x23: {  	s9 =	sor.u32 $0xD0000000, s2;
	s6 =	simm.s32 $0x108;
	_ =	swait.ge @!p0 [sflag:s8], $0x0  }
0x24: {  	s3 =	sadd.s32 $0x88, s3;
	s6 =	simm.s32 @!p1 $0x1082;
	[sflag:s4] =	ssyncset.s32 $0xFFFFF086  }
0x25: {  	[simem:s6], [sflag:s4] =	dma.local [hbm:s3], $0xF7A  }
0x26: {  	[smem:$0x3F9E] =	sst s1;
	(tag) =	ssettag s2;
	_ =	strace s9  }
0x27: {  	s1 =	sld [smem:$0x3FAE]  }
0x28: {  	s2 =	sld [smem:$0x3FAF]  }
0x29: {  	s4 =	sld [smem:$0x3FB1]  }
0x2a: {  	p0 =	seq.s32 s5, $0x0;
	s5 =	sld [smem:$0x3FB2]  }
0x2b: {  	s6 =	sld [smem:$0x3FB3]  }
0x2c: {  	s7 =	sld [smem:$0x3FB4]  }
0x2d: {  	s3 =	simm.s32 $0x108;
	s8 =	sld [smem:$0x3FB5]  }
0x2e: {  	s3 =	simm.s32 @!p0 $0x1082;
	s9 =	sld [smem:$0x3FB6]  }
0x2f: {  	lr =	sadd.s32 s0, s3;
	s0 =	sld [smem:$0x3FAD]  }
0x30: {  	s3 =	sld [smem:$0x3FB0]  }
0x31: {  	[smem:$0x3FB9] =	sst s10  }
0x32: {  	s10 =	sld [smem:$0x3FB7];
	_ =	sdelay $0x3  }
0x33: {  	p0 =	seq.s32 s10, $0x1;
	s10 =	sld [smem:$0x3FB9];
	_ =	sdelay $0x3  }
0x34: {  	[smem:$0x3FB9] =	sst s10  }
0x35: {  	s10 =	sld [smem:$0x3FB8];
	_ =	sdelay $0x3  }
0x36: {  	p1 =	seq.s32 s10, $0x1;
	s10 =	sld [smem:$0x3FB9];
	_ =	sdelay $0x3  }
0x37: {  	[smem:$0x3FB9] =	sst s10  }
0x38: {  	s10 =	sld [smem:$0x3FBA]  }
0x39: {  	_ = 	snop;
	(pc) =	sbr.ind lr, $3  }
0x3a: {  	_ = 	snop  }
0x3b: {  	_ = 	snop  }
0x3c: {  	p2 =	seq.s32 s10, $0x1;
	s10 =	sld [smem:$0x3FB9]  }
0x3d: {  	_ =	shalt  }
0x3e: {  	_ =	shalt  }
0x3f: {  	_ =	shalt  }
0x40: {  	_ =	shalt  }
0x41: {  	_ =	shalt  }
0x42: {  	_ =	shalt  }
0x43: {  	_ =	shalt  }
0x44: {  	_ =	shalt  }
0x45: {  	_ =	shalt  }
0x46: {  	_ =	shalt  }
0x47: {  	_ =	shalt  }
0x48: {  	_ =	shalt  }
0x49: {  	_ =	shalt  }
0x4a: {  	_ =	shalt  }
0x4b: {  	_ =	shalt  }
0x4c: {  	_ =	shalt  }
0x4d: {  	_ =	shalt  }
0x4e: {  	_ =	shalt  }
0x4f: {  	_ =	shalt  }
0x50: {  	_ =	shalt  }
0x51: {  	_ =	shalt  }
0x52: {  	_ =	shalt  }
0x53: {  	_ =	shalt  }
0x54: {  	_ =	shalt  }
0x55: {  	_ =	shalt  }
0x56: {  	_ =	shalt  }
0x57: {  	_ =	shalt  }
0x58: {  	_ =	shalt  }
0x59: {  	_ =	shalt  }
0x5a: {  	_ =	shalt  }
0x5b: {  	_ =	shalt  }
0x5c: {  	_ =	shalt  }
0x5d: {  	_ =	shalt  }
0x5e: {  	_ =	shalt  }
0x5f: {  	_ =	shalt  }
0x60: {  	_ =	shalt  }
0x61: {  	_ =	shalt  }
0x62: {  	_ =	shalt  }
0x63: {  	_ =	shalt  }
0x64: {  	_ =	shalt  }
0x65: {  	_ =	shalt  }
0x66: {  	_ =	shalt  }
0x67: {  	_ =	shalt  }
0x68: {  	_ =	shalt  }
0x69: {  	_ =	shalt  }
0x6a: {  	_ =	shalt  }
0x6b: {  	_ =	shalt  }
0x6c: {  	_ =	shalt  }
0x6d: {  	_ =	shalt  }
0x6e: {  	_ =	shalt  }
0x6f: {  	_ =	shalt  }
0x70: {  	_ =	shalt  }
0x71: {  	_ =	shalt  }
0x72: {  	_ =	shalt  }
0x73: {  	_ =	shalt  }
0x74: {  	_ =	shalt  }
0x75: {  	_ =	shalt  }
0x76: {  	_ =	shalt  }
0x77: {  	_ =	shalt  }
0x78: {  	_ =	shalt  }
0x79: {  	_ =	shalt  }
0x7a: {  	_ =	shalt  }
0x7b: {  	_ =	shalt  }
0x7c: {  	_ =	shalt  }
0x7d: {  	_ =	shalt  }
0x7e: {  	_ =	shalt  }
0x7f: {  	_ =	shalt  }
0x80: {  	_ =	shalt  }
0x81: {  	_ =	shalt  }
0x82: {  	_ =	shalt  }
0x83: {  	_ =	shalt  }
0x84: {  	_ =	shalt  }
0x85: {  	_ =	shalt  }
0x86: {  	_ =	shalt  }
0x87: {  	_ =	shalt  }
.Lfunc_end0:
.L_simem_size_0:
called_computation_lowered:
.L_overlay_start_0:
0x88: {  	s2 =	sld [smem:$0x3FD9]  }
0x89: {  	s3 =	sld [smem:$0x3FFE];
	_ =	sdelay $0x1  }
0x8a: {  	s1 =	srdreg.scid  }
0x8b: {  	s0 =	sand.u32 $0x1, s1  }
0x8c: {  	s17 =	sshll.u32 s0, $0xA;
	s2 =	sadd.s32 s3, s2  }
0x8d: {  	s2 =	sadd.s32 s2, s17  }
0x8e: {  	[smem:$0x3FC5] =	sst s2  }
0x8f: {  	_ = 	snop  }
0x90: {  	s2 =	sld [smem:$0x3FD0];
	(tm) =	ssettm $0x1  }
0x91: {  	s18 =	sld [smem:$0x3FFB];
	_ =	sdelay $0x3  }
0x92: {  	_ =	strace s18  }
0x93: {  	s3 =	sld [smem:$0x3FFC];
	_ =	sdelay $0x3  }
0x94: {  	_ =	strace s3  }
0x95: {  	s3 =	sld [smem:$0x3FFD];
	_ =	sdelay $0x3  }
0x96: {  	_ =	strace s3  }
0x97: {  	_ =	strace $0x8FFFFFFF  }
0x98: {  	s19 =	sld [smem:$0x3FDB];
	_ =	sdelay $0x1  }
0x99: {  	s4 =	simm.s32 $_scs_section_size  }
0x9a: {  	s5 =	simm.s32 $_size__tile_overlayer_lowered;
	s6 =	simm.s32 $_tile_overlayer_lowered  }
0x9b: {  	s22 =	simm.s32 $0x1BFF;
	s21 =	sshll.u32 s6, $0x1;
	s3 =	sadd.s32 s4, s19  }
0x9c: {  	s7 =	simm.s32 $0x0;
	s20 =	sshll.u32 s5, $0x1;
	s5 =	sadd.s32 s21, s3  }
0x9d: {  	[timem:s7], [sflag:s22] =	dma.local [hbm:s5], s20  }
0x9e: {  	_ =	swait.ge [sflag:s22], s20  }
0x9f: {  	s4 =	ssub.s32 $0x0, s20;
	[sflag:s22] =	ssyncset.done $0x0  }
0xa0: {  	[sflag:s22] =	ssyncadd.s32 s4;
	_ =	sdelay $0x1  }
0xa1: {  	s23 =	simm.s32 $0x1B8B  }
0xa2: {  	_ =	swait.ge [sflag:s23], $0x1  }
0xa3: {  	[sflag:s23] =	ssyncset.done $0x0  }
0xa4: {  	s25 =	simm.s32 $0x1B8E;
	s24 =	sld [smem:$0x3FFE];
	[sflag:s23] =	ssyncadd.s32 $0xFFFFFFFF  }
0xa5: {  	s26 =	simm.s32 $execute0_lowered;
	[smem:$0x3FD2] =	sst s25  }
0xa6: {  	s5 =	sshll.u32 s26, $0x1;
	_ =	strace $0x80000046;
	[dreg:$0x1] =	wrdreg $0xFFFFFFFF  }
0xa7: {  	s28 =	simm.s32 $_size_execute0_lowered;
	s3 =	sadd.s32 s3, s5;
	[dreg:$0x0] =	wrdreg $0x0  }
0xa8: {  	s5 =	sshll.u32 s28, $0x1;
	[dreg:$0x2] =	wrdreg s3  }
0xa9: {  	[dreg:$0x3] =	wrdreg s5  }
0xaa: {  	[dreg:$0x4] =	wrdreg $0xC0  }
0xab: {  	_ =	task [dreg:s7], $0x5FFFF  }
0xac: {  	[dreg:$0x1] =	wrdreg $0xFFFFFFFF  }
0xad: {  	[dreg:$0x0] =	wrdreg $0x60  }
0xae: {  	[dreg:$0x2] =	wrdreg s24  }
0xaf: {  	[dreg:$0x3] =	wrdreg s2  }
0xb0: {  	[dreg:$0x4] =	wrdreg $0x9  }
0xb1: {  	_ =	task.clear_ibuf [dreg:s7], $0x5FFFF;
	_ =	strace $0x90000046  }
0xb2: {  	s29 =	simm.s32 $0x9;
	_ =	strace $0x80000048  }
0xb3: {  	_ =	swait.ge [sflag:s29], $0x1  }
0xb4: {  	[sflag:s29] =	ssyncadd.s32 $0xFFFFFFFF  }
0xb5: {  	_ =	strace $0x90000048  }
0xb6: {  	_ =	sfence  }
0xb7: {  	s30 =	sld [smem:$0x0];
	_ =	sdelay $0x2  }
0xb8: {  	s31 =	sshll.u32 s1, $0xD;
	s1 =	sshrl.u32 s1, $0x2  }
0xb9: {  	s3 =	sand.u32 $0x4000, s31;
	s1 =	sadd.s32 s1, s30  }
0xba: {  	s0 =	sor.u32 s3, s0;
	s1 =	sshll.u32 s1, $0x11  }
0xbb: {  	s0 =	sor.u32 s1, s0  }
0xbc: {  	s0 =	sadd.s32 $0x8F2B, s0  }
0xbd: {  	[sflag:s0] =	ssyncadd.remote.s32 $0x1  }
0xbe: {  	_ =	sfence.sel $0xFFFF  }
0xbf: {  	[dreg:$0x0] =	wrdreg $0xFFFFFFFF;
	(pc) =	sbr.abs _section_cstart, $3  }
0xc0: {  	[dreg:$0x1] =	wrdreg $0xFFFFFFFF  }
0xc1: {  	_ =	task.clear_ibuf [dreg:s7], $0x2FFFF;
	_ =	strace $0x9FFFFFFF  }
0xc2: {  	(tm) =	ssettm $0x7FFFFFFF  }
0xc3: {  	_ =	shalt  }
tec
execute0_lowered:
.L_overlay_start_1:
0x0: {  	(tag) =	ssettag $0x1  }
0x1: {  	s0 =	rddreg [dreg:$0x0]  }
0x2: {  	s3 =	simm.s32 $0x0;
	s1 =	srdreg.scid;
	s5 =	stileid.u32  }
0x3: {  	s10 =	simm.s32 $0x9;
	s11 =	simm.s32 $0x1800;
	s12 =	simm.s32 $0x2000  }
0x4: {  	s13 =	simm.s32 $0x2800;
	s14 =	simm.s32 $0x3000;
	s15 =	simm.s32 $0x3800  }
0x5: {  	s16 =	simm.s32 $0x4000;
	s17 =	simm.s32 $0x4800;
	s18 =	simm.s32 $0x5000  }
0x6: {  	s19 =	simm.s32 $0x1;
	s20 =	simm.s32 $0x2;
	s21 =	simm.s32 $0x3  }
0x7: {  	s22 =	simm.s32 $0x4;
	s23 =	simm.s32 $0x5;
	s24 =	simm.s32 $0x6  }
0x8: {  	s25 =	simm.s32 $0x7;
	s26 =	simm.s32 $0x8;
	s28 =	simm.s32 $0x5800  }
0x9: {  	s29 =	simm.s32 $0x0;
	[smem:$0x7FF] =	sst s3;
	s1 =	sand.u32 $0x1, s1  }
0xa: {  	s2 =	sshll.u32 s5, $0x1;
	s4 =	sadd.s32 $0x1800, s0;
	s0 =	sadd.s32 $0x93C00, s0  }
0xb: {  	s5 =	sshll.u32 s5, $0x8;
	s2 =	sor.u32 s1, s2;
	s1 =	ssub.s32 $0x2, s1  }
0xc: {  	_ =	strace $0x80000047;
	s6 =	sshll.u32 s2, $0x4;
	s7 =	sshrl.u32 s1, $0x1  }
.Ltmp0:
0xd: {  	s8 =	sor.u32 $0x20, s2;
	s9 =	sshll.u32 s2, $0x9;
	(pc) =	sbr.rel .LBB2_1-.Ltmp0, $4  }
0xe: {  	p0 =	sgt.u32 s2, $0xC;
	s5 =	sor.u32 s6, s5;
	s1 =	ssub.s32 s1, s7  }
0xf: {  	s31 =	sshll.u32 s8, $0x7;
	s8 =	sshll.u32 s8, $0x9;
	s5 =	sand.u32 $0xC70, s5  }
0x10: {  	s7 =	sor.u32 s6, s31;
	s6 =	sadd.s32 s0, s9;
	s0 =	sadd.s32 s0, s8  }
0x11: {  	vm0 =	vmmov $0xffff;
	s9 =	smax.u32 s1, $0x1;
	s7 =	sand.u32 $0x1470, s7;
	[dreg:$0x3] =	wrdreg s0  }
.LBB2_6:
0x12: {  	v3 =	vld [tilespmem:s31+$0x5060]  }
0x13: {  	v0 =	vsub.f32 v0, v1;
	_ =	sdelay $0x1  }
0x14: {  	v0 =	vsub.f32 v0, v2;
	_ =	sdelay $0x1  }
0x15: {  	v0 =	vadd.f32 v3, v0;
	_ =	sdelay $0x1  }
0x16: {  	[tilespmem:s0+$0x5C60] =	vst v0  }
0x17: {  	v0 =	vld [tilespmem:s31+$0x3870]  }
0x18: {  	v61 =	vld [tilespmem:s31+$0x4070];
	_ =	sdelay $0x1  }
0x19: {  	v62 =	vld [tilespmem:s31+$0x4870];
	_ =	sdelay $0x1  }
0x1a: {  	v63 =	vld [tilespmem:s31+$0x5070]  }
0x1b: {  	v0 =	vsub.f32 v0, v61;
	_ =	sdelay $0x1  }
0x1c: {  	v0 =	vsub.f32 v0, v62;
	_ =	sdelay $0x1  }
0x1d: {  	v0 =	vadd.f32 v63, v0;
	_ =	sdelay $0x1  }
0x1e: {  	s31 =	rddreg [dreg:$0x3];
	[tilespmem:s0+$0x5C70] =	vst v0  }
0x1f: {  	[hbm4b:s31+s3] =	stream.linear.scatter [tilespmem:s28], [sflag:$0x9], $0x1000, $0x38;
	[tilespmem:$0x6800] =	vst v63  }
0x20: {  	_ =	swait.ge [sflag:s10], $0x1000  }
0x21: {  	[sflag:s10] =	ssyncset.done $0x0  }
0x22: {  	[sflag:s10] =	ssyncadd.s32 $0xFFFFF000  }
.LBB2_7:
0x23: {  	s29 =	sadd.s32 $0x1, s29  }
0x24: {  	p1 =	sne.s32 s29, s9  }
.Ltmp1:
0x25: {  	_ = 	snop;
	(pc) =	sbr.rel @!p1 .LBB2_8-.Ltmp1, $1  }
0x26: {  	_ =	sdelay $0x3  }
.LBB2_1:
0x27: {  	s0 =	rddreg [dreg:$0x1]  }
0x28: {  	[tilespmem:s3], [sflag:$0x9] =	stream.linear.gather [hbm4b:s0+s3], $0x1800, $0x38;
	[tilespmem:$0x6800] =	vst v63  }
0x29: {  	_ =	swait.ge [sflag:s10], $0x1800  }
0x2a: {  	[sflag:s10] =	ssyncset.done $0x0  }
0x2b: {  	[sflag:s10] =	ssyncadd.s32 $0xFFFFE800  }
0x2c: {  	v1 =	vld [tilespmem:s5+$0x180]  }
0x2d: {  	v0 =	vld [tilespmem:s5+$0x80]  }
0x2e: {  	v2 =	vld [tilespmem:s5+$0x100]  }
0x2f: {  	v3 =	vld [tilespmem:s5+$0x200];
	_ =	sdelay $0x1  }
0x30: {  	v1 =	vmul.f32 $6.250000000e-02, v1  }
0x31: {  	v0 =	vmul.f32 $6.250000000e-02, v0  }
0x32: {  	v4 =	vld [tilespmem:s5+$0x0];
	v2 =	vmul.f32 $6.250000000e-02, v2;
	v1 =	vtrunc.f32 v1  }
0x33: {  	v3 =	vtrunc.f32 v3;
	v1 =	vcvt.f32.s32 v1  }
0x34: {  	v3 =	vcvt.f32.s32 v3;
	v0 =	vtrunc.f32 v0  }
0x35: {  	v2 =	vtrunc.f32 v2;
	v0 =	vcvt.f32.s32 v0;
	v1 =	vmul.u32 $0x48, v1  }
0x36: {  	v2 =	vcvt.f32.s32 v2  }
0x37: {  	v4 =	vmul.f32 $6.250000000e-02, v4;
	v0 =	vmul.u32 $0x48, v0;
	v1 =	vadd.s32 v3, v1  }
0x38: {  	v5 =	vadd.s32 v2, v1  }
0x39: {  	v4 =	vtrunc.f32 v4;
	v0 =	vadd.s32 v3, v0  }
0x3a: {  	v3 =	vcvt.f32.s32 v4;
	v2 =	vadd.s32 v2, v0;
	_ =	sdelay $0x1  }
0x3b: {  	v1 =	vadd.s32 v3, v1  }
0x3c: {  	[tilespmem:s11], [sflag:$0x1] =	stream.indirect_vreg.gather [hbm4b:s4+s3], $0x80, v5, vm0, $0xb8;
	[tilespmem:$0x6800] =	vst v63  }
0x3d: {  	v0 =	vadd.s32 v3, v0  }
0x3e: {  	[tilespmem:s12], [sflag:$0x2] =	stream.indirect_vreg.gather [hbm4b:s4+s3], $0x80, v2, vm0, $0xb8;
	[tilespmem:$0x6800] =	vst v63  }
0x3f: {  	v3 =	vadd.s32 $0x4920, v5  }
0x40: {  	[tilespmem:s13], [sflag:$0x3] =	stream.indirect_vreg.gather [hbm4b:s4+s3], $0x80, v1, vm0, $0xb8;
	[tilespmem:$0x6800] =	vst v63  }
0x41: {  	v2 =	vadd.s32 $0x4920, v2  }
0x42: {  	[tilespmem:s14], [sflag:$0x4] =	stream.indirect_vreg.gather [hbm4b:s4+s3], $0x80, v0, vm0, $0xb8;
	[tilespmem:$0x6800] =	vst v63  }
0x43: {  	v1 =	vadd.s32 $0x4920, v1  }
0x44: {  	[tilespmem:s15], [sflag:$0x5] =	stream.indirect_vreg.gather [hbm4b:s4+s3], $0x80, v3, vm0, $0xb8;
	[tilespmem:$0x6800] =	vst v63  }
0x45: {  	v0 =	vadd.s32 $0x4920, v0  }
0x46: {  	[tilespmem:s16], [sflag:$0x6] =	stream.indirect_vreg.gather [hbm4b:s4+s3], $0x80, v2, vm0, $0xb8;
	[tilespmem:$0x6800] =	vst v63  }
0x47: {  	_ = 	snop  }
0x48: {  	[tilespmem:s17], [sflag:$0x7] =	stream.indirect_vreg.gather [hbm4b:s4+s3], $0x80, v1, vm0, $0xb8;
	[tilespmem:$0x6800] =	vst v63  }
0x49: {  	_ = 	snop  }
0x4a: {  	[tilespmem:s18], [sflag:$0x8] =	stream.indirect_vreg.gather [hbm4b:s4+s3], $0x80, v0, vm0, $0xb8;
	[tilespmem:$0x6800] =	vst v63  }
0x4b: {  	_ =	swait.ge [sflag:s19], $0x800  }
0x4c: {  	[sflag:s19] =	ssyncset.done $0x0  }
0x4d: {  	[sflag:s19] =	ssyncadd.s32 $0xFFFFF800  }
0x4e: {  	_ =	swait.ge [sflag:s20], $0x800  }
0x4f: {  	[sflag:s20] =	ssyncset.done $0x0  }
0x50: {  	[sflag:s20] =	ssyncadd.s32 $0xFFFFF800  }
0x51: {  	_ =	swait.ge [sflag:s21], $0x800  }
0x52: {  	[sflag:s21] =	ssyncset.done $0x0  }
0x53: {  	[sflag:s21] =	ssyncadd.s32 $0xFFFFF800  }
0x54: {  	_ =	swait.ge [sflag:s22], $0x800  }
0x55: {  	[sflag:s22] =	ssyncset.done $0x0  }
0x56: {  	[sflag:s22] =	ssyncadd.s32 $0xFFFFF800  }
0x57: {  	_ =	swait.ge [sflag:s23], $0x800  }
0x58: {  	[sflag:s23] =	ssyncset.done $0x0  }
0x59: {  	[sflag:s23] =	ssyncadd.s32 $0xFFFFF800  }
0x5a: {  	_ =	swait.ge [sflag:s24], $0x800  }
0x5b: {  	[sflag:s24] =	ssyncset.done $0x0  }
0x5c: {  	[sflag:s24] =	ssyncadd.s32 $0xFFFFF800  }
0x5d: {  	_ =	swait.ge [sflag:s25], $0x800  }
0x5e: {  	[sflag:s25] =	ssyncset.done $0x0  }
0x5f: {  	[sflag:s25] =	ssyncadd.s32 $0xFFFFF800  }
0x60: {  	_ =	swait.ge [sflag:s26], $0x800  }
0x61: {  	[sflag:s26] =	ssyncset.done $0x0  }
0x62: {  	s30 =	simm.s32 $0x0;
	[sflag:s26] =	ssyncadd.s32 $0xFFFFF800  }
0x63: {  	v0 =	vld [tilespmem:s30+$0x1800]  }
0x64: {  	v1 =	vld [tilespmem:s30+$0x2000];
	_ =	sdelay $0x1  }
0x65: {  	v2 =	vld [tilespmem:s30+$0x2800];
	_ =	sdelay $0x1  }
0x66: {  	v3 =	vld [tilespmem:s30+$0x3000]  }
0x67: {  	v0 =	vsub.f32 v0, v1;
	_ =	sdelay $0x1  }
0x68: {  	v0 =	vsub.f32 v0, v2;
	_ =	sdelay $0x1  }
0x69: {  	s8 =	sand.u32 $0x800, s3;
	s1 =	sand.u32 $0x380, s3;
	v0 =	vadd.f32 v3, v0  }
0x6a: {  	s31 =	sor.u32 s1, s8  }
0x6b: {  	[tilespmem:s31+$0x5800] =	vst v0  }
0x6c: {  	v0 =	vld [tilespmem:s30+$0x1810]  }
0x6d: {  	v1 =	vld [tilespmem:s30+$0x2010];
	_ =	sdelay $0x1  }
0x6e: {  	v2 =	vld [tilespmem:s30+$0x2810];
	_ =	sdelay $0x1  }
0x6f: {  	v3 =	vld [tilespmem:s30+$0x3010]  }
0x70: {  	v0 =	vsub.f32 v0, v1;
	_ =	sdelay $0x1  }
0x71: {  	v0 =	vsub.f32 v0, v2;
	_ =	sdelay $0x1  }
0x72: {  	v0 =	vadd.f32 v3, v0;
	_ =	sdelay $0x1  }
0x73: {  	[tilespmem:s31+$0x5810] =	vst v0  }
0x74: {  	v0 =	vld [tilespmem:s30+$0x1820]  }
0x75: {  	v1 =	vld [tilespmem:s30+$0x2020];
	_ =	sdelay $0x1  }
0x76: {  	v2 =	vld [tilespmem:s30+$0x2820];
	_ =	sdelay $0x1  }
0x77: {  	v3 =	vld [tilespmem:s30+$0x3020]  }
0x78: {  	v0 =	vsub.f32 v0, v1;
	_ =	sdelay $0x1  }
0x79: {  	v0 =	vsub.f32 v0, v2;
	_ =	sdelay $0x1  }
0x7a: {  	v0 =	vadd.f32 v3, v0;
	_ =	sdelay $0x1  }
0x7b: {  	[tilespmem:s31+$0x5820] =	vst v0  }
0x7c: {  	v0 =	vld [tilespmem:s30+$0x1830]  }
0x7d: {  	v1 =	vld [tilespmem:s30+$0x2030];
	_ =	sdelay $0x1  }
0x7e: {  	v2 =	vld [tilespmem:s30+$0x2830];
	_ =	sdelay $0x1  }
0x7f: {  	v3 =	vld [tilespmem:s30+$0x3030]  }
0x80: {  	v0 =	vsub.f32 v0, v1;
	_ =	sdelay $0x1  }
0x81: {  	v0 =	vsub.f32 v0, v2;
	_ =	sdelay $0x1  }
0x82: {  	v0 =	vadd.f32 v3, v0;
	_ =	sdelay $0x1  }
0x83: {  	[tilespmem:s31+$0x5830] =	vst v0  }
0x84: {  	v0 =	vld [tilespmem:s30+$0x1840]  }
0x85: {  	v1 =	vld [tilespmem:s30+$0x2040];
	_ =	sdelay $0x1  }
0x86: {  	v2 =	vld [tilespmem:s30+$0x2840];
	_ =	sdelay $0x1  }
0x87: {  	v3 =	vld [tilespmem:s30+$0x3040]  }
0x88: {  	v0 =	vsub.f32 v0, v1;
	_ =	sdelay $0x1  }
0x89: {  	v0 =	vsub.f32 v0, v2;
	_ =	sdelay $0x1  }
0x8a: {  	v0 =	vadd.f32 v3, v0;
	_ =	sdelay $0x1  }
0x8b: {  	[tilespmem:s31+$0x5840] =	vst v0  }
0x8c: {  	v0 =	vld [tilespmem:s30+$0x1850]  }
0x8d: {  	v1 =	vld [tilespmem:s30+$0x2050];
	_ =	sdelay $0x1  }
0x8e: {  	v2 =	vld [tilespmem:s30+$0x2850];
	_ =	sdelay $0x1  }
0x8f: {  	v3 =	vld [tilespmem:s30+$0x3050]  }
0x90: {  	v0 =	vsub.f32 v0, v1;
	_ =	sdelay $0x1  }
0x91: {  	v0 =	vsub.f32 v0, v2;
	_ =	sdelay $0x1  }
0x92: {  	v0 =	vadd.f32 v3, v0;
	_ =	sdelay $0x1  }
0x93: {  	[tilespmem:s31+$0x5850] =	vst v0  }
0x94: {  	v0 =	vld [tilespmem:s30+$0x1860]  }
0x95: {  	v1 =	vld [tilespmem:s30+$0x2060];
	_ =	sdelay $0x1  }
0x96: {  	v2 =	vld [tilespmem:s30+$0x2860];
	_ =	sdelay $0x1  }
0x97: {  	v3 =	vld [tilespmem:s30+$0x3060]  }
0x98: {  	v0 =	vsub.f32 v0, v1;
	_ =	sdelay $0x1  }
0x99: {  	v0 =	vsub.f32 v0, v2;
	_ =	sdelay $0x1  }
0x9a: {  	v0 =	vadd.f32 v3, v0;
	_ =	sdelay $0x1  }
0x9b: {  	[tilespmem:s31+$0x5860] =	vst v0  }
0x9c: {  	v0 =	vld [tilespmem:s30+$0x1870]  }
0x9d: {  	v1 =	vld [tilespmem:s30+$0x2070];
	_ =	sdelay $0x1  }
0x9e: {  	v2 =	vld [tilespmem:s30+$0x2870];
	_ =	sdelay $0x1  }
0x9f: {  	v3 =	vld [tilespmem:s30+$0x3070]  }
0xa0: {  	v0 =	vsub.f32 v0, v1;
	_ =	sdelay $0x1  }
0xa1: {  	v0 =	vsub.f32 v0, v2;
	_ =	sdelay $0x1  }
0xa2: {  	v0 =	vadd.f32 v3, v0;
	_ =	sdelay $0x1  }
0xa3: {  	[tilespmem:s31+$0x5870] =	vst v0  }
0xa4: {  	v0 =	vld [tilespmem:s30+$0x3800]  }
0xa5: {  	v1 =	vld [tilespmem:s30+$0x4000];
	_ =	sdelay $0x1  }
0xa6: {  	v2 =	vld [tilespmem:s30+$0x4800];
	_ =	sdelay $0x1  }
0xa7: {  	v3 =	vld [tilespmem:s30+$0x5000]  }
0xa8: {  	v0 =	vsub.f32 v0, v1;
	_ =	sdelay $0x1  }
0xa9: {  	v0 =	vsub.f32 v0, v2;
	_ =	sdelay $0x1  }
0xaa: {  	v0 =	vadd.f32 v3, v0;
	_ =	sdelay $0x1  }
0xab: {  	[tilespmem:s31+$0x5C00] =	vst v0  }
0xac: {  	v0 =	vld [tilespmem:s30+$0x3810]  }
0xad: {  	v1 =	vld [tilespmem:s30+$0x4010];
	_ =	sdelay $0x1  }
0xae: {  	v2 =	vld [tilespmem:s30+$0x4810];
	_ =	sdelay $0x1  }
0xaf: {  	v3 =	vld [tilespmem:s30+$0x5010]  }
0xb0: {  	v0 =	vsub.f32 v0, v1;
	_ =	sdelay $0x1  }
0xb1: {  	v0 =	vsub.f32 v0, v2;
	_ =	sdelay $0x1  }
0xb2: {  	v0 =	vadd.f32 v3, v0;
	_ =	sdelay $0x1  }
0xb3: {  	[tilespmem:s31+$0x5C10] =	vst v0  }
0xb4: {  	v0 =	vld [tilespmem:s30+$0x3820]  }
0xb5: {  	v1 =	vld [tilespmem:s30+$0x4020];
	_ =	sdelay $0x1  }
0xb6: {  	v2 =	vld [tilespmem:s30+$0x4820];
	_ =	sdelay $0x1  }
0xb7: {  	v3 =	vld [tilespmem:s30+$0x5020]  }
0xb8: {  	v0 =	vsub.f32 v0, v1;
	_ =	sdelay $0x1  }
0xb9: {  	v0 =	vsub.f32 v0, v2;
	_ =	sdelay $0x1  }
0xba: {  	v0 =	vadd.f32 v3, v0;
	_ =	sdelay $0x1  }
0xbb: {  	[tilespmem:s31+$0x5C20] =	vst v0  }
0xbc: {  	v0 =	vld [tilespmem:s30+$0x3830]  }
0xbd: {  	v1 =	vld [tilespmem:s30+$0x4030];
	_ =	sdelay $0x1  }
0xbe: {  	v2 =	vld [tilespmem:s30+$0x4830];
	_ =	sdelay $0x1  }
0xbf: {  	v3 =	vld [tilespmem:s30+$0x5030]  }
0xc0: {  	v0 =	vsub.f32 v0, v1;
	_ =	sdelay $0x1  }
0xc1: {  	v0 =	vsub.f32 v0, v2;
	_ =	sdelay $0x1  }
0xc2: {  	v0 =	vadd.f32 v3, v0;
	_ =	sdelay $0x1  }
0xc3: {  	[tilespmem:s31+$0x5C30] =	vst v0  }
0xc4: {  	v0 =	vld [tilespmem:s30+$0x3840]  }
0xc5: {  	v1 =	vld [tilespmem:s30+$0x4040];
	_ =	sdelay $0x1  }
0xc6: {  	v2 =	vld [tilespmem:s30+$0x4840];
	_ =	sdelay $0x1  }
0xc7: {  	v3 =	vld [tilespmem:s30+$0x5040]  }
0xc8: {  	v0 =	vsub.f32 v0, v1;
	_ =	sdelay $0x1  }
0xc9: {  	v0 =	vsub.f32 v0, v2;
	_ =	sdelay $0x1  }
0xca: {  	v0 =	vadd.f32 v3, v0;
	_ =	sdelay $0x1  }
0xcb: {  	[tilespmem:s31+$0x5C40] =	vst v0  }
0xcc: {  	v0 =	vld [tilespmem:s30+$0x3850]  }
0xcd: {  	v1 =	vld [tilespmem:s30+$0x4050];
	_ =	sdelay $0x1  }
0xce: {  	v2 =	vld [tilespmem:s30+$0x4850];
	_ =	sdelay $0x1  }
0xcf: {  	v3 =	vld [tilespmem:s30+$0x5050]  }
0xd0: {  	v0 =	vsub.f32 v0, v1;
	_ =	sdelay $0x1  }
0xd1: {  	v0 =	vsub.f32 v0, v2;
	_ =	sdelay $0x1  }
0xd2: {  	v0 =	vadd.f32 v3, v0;
	_ =	sdelay $0x1  }
0xd3: {  	[tilespmem:s31+$0x5C50] =	vst v0  }
0xd4: {  	v0 =	vld [tilespmem:s30+$0x3860]  }
0xd5: {  	v1 =	vld [tilespmem:s30+$0x4060]  }
0xd6: {  	s2 =	simm.s32 $0x0;
	s0 =	simm.s32 $0x200;
	s1 =	simm.s32 $0x0;
	v2 =	vld [tilespmem:s30+$0x4860]  }
.LBB2_2:
0xd7: {  	p1 =	sne.s32 s0, $0x1E00;
	v3 =	vld [tilespmem:s30+$0x5060];
	s2 =	sadd.s32 $0x100, s2;
	s1 =	sadd.s32 $0x80, s1  }
0xd8: {  	s8 =	smov.u32 s0;
	s0 =	sadd.s32 $0x200, s0;
	_ =	sdelay $0x1  }
0xd9: {  	v0 =	vsub.f32 v0, v1;
	_ =	sdelay $0x1  }
0xda: {  	v0 =	vsub.f32 v0, v2;
	_ =	sdelay $0x1  }
0xdb: {  	v0 =	vadd.f32 v3, v0;
	_ =	sdelay $0x1  }
0xdc: {  	[tilespmem:s31+$0x5C60] =	vst v0  }
0xdd: {  	v0 =	vld [tilespmem:s30+$0x3870]  }
0xde: {  	v1 =	vld [tilespmem:s30+$0x4070]  }
0xdf: {  	v2 =	vld [tilespmem:s30+$0x4870]  }
0xe0: {  	v3 =	vld [tilespmem:s30+$0x5070];
	_ =	sdelay $0x2  }
0xe1: {  	s30 =	sshra.s32 s8, $0x2;
	v0 =	vsub.f32 v0, v1;
	_ =	sdelay $0x1  }
0xe2: {  	v0 =	vsub.f32 v0, v2;
	_ =	sdelay $0x1  }
0xe3: {  	v0 =	vadd.f32 v3, v0;
	_ =	sdelay $0x1  }
0xe4: {  	[tilespmem:s31+$0x5C70] =	vst v0  }
0xe5: {  	v0 =	vld [tilespmem:s30+$0x1800]  }
0xe6: {  	v1 =	vld [tilespmem:s30+$0x2000]  }
0xe7: {  	v2 =	vld [tilespmem:s30+$0x2800];
	_ =	sdelay $0x1  }
0xe8: {  	v3 =	vld [tilespmem:s30+$0x3000];
	_ =	sdelay $0x1  }
0xe9: {  	v0 =	vsub.f32 v0, v1;
	_ =	sdelay $0x1  }
0xea: {  	v0 =	vsub.f32 v0, v2;
	_ =	sdelay $0x1  }
0xeb: {  	s8 =	sand.u32 $0x800, s2;
	s31 =	sand.u32 $0x380, s1;
	v0 =	vadd.f32 v3, v0  }
0xec: {  	s31 =	sor.u32 s31, s8  }
0xed: {  	[tilespmem:s31+$0x5800] =	vst v0  }
0xee: {  	v0 =	vld [tilespmem:s30+$0x1810]  }
0xef: {  	v1 =	vld [tilespmem:s30+$0x2010];
	_ =	sdelay $0x1  }
0xf0: {  	v2 =	vld [tilespmem:s30+$0x2810];
	_ =	sdelay $0x1  }
0xf1: {  	v3 =	vld [tilespmem:s30+$0x3010]  }
0xf2: {  	v0 =	vsub.f32 v0, v1;
	_ =	sdelay $0x1  }
0xf3: {  	v0 =	vsub.f32 v0, v2;
	_ =	sdelay $0x1  }
0xf4: {  	v0 =	vadd.f32 v3, v0;
	_ =	sdelay $0x1  }
0xf5: {  	[tilespmem:s31+$0x5810] =	vst v0  }
0xf6: {  	v0 =	vld [tilespmem:s30+$0x1820]  }
0xf7: {  	v1 =	vld [tilespmem:s30+$0x2020];
	_ =	sdelay $0x1  }
0xf8: {  	v2 =	vld [tilespmem:s30+$0x2820];
	_ =	sdelay $0x1  }
0xf9: {  	v3 =	vld [tilespmem:s30+$0x3020]  }
0xfa: {  	v0 =	vsub.f32 v0, v1;
	_ =	sdelay $0x1  }
0xfb: {  	v0 =	vsub.f32 v0, v2;
	_ =	sdelay $0x1  }
0xfc: {  	v0 =	vadd.f32 v3, v0;
	_ =	sdelay $0x1  }
0xfd: {  	[tilespmem:s31+$0x5820] =	vst v0  }
0xfe: {  	v0 =	vld [tilespmem:s30+$0x1830]  }
0xff: {  	v1 =	vld [tilespmem:s30+$0x2030]  }
0x100: {  	v2 =	vld [tilespmem:s30+$0x3030]  }
0x101: {  	v3 =	vld [tilespmem:s30+$0x2830];
	_ =	sdelay $0x2  }
0x102: {  	v0 =	vsub.f32 v0, v1;
	_ =	sdelay $0x1  }
0x103: {  	v0 =	vsub.f32 v0, v3;
	_ =	sdelay $0x1  }
0x104: {  	v0 =	vadd.f32 v2, v0;
	_ =	sdelay $0x1  }
0x105: {  	[tilespmem:s31+$0x5830] =	vst v0  }
0x106: {  	v0 =	vld [tilespmem:s30+$0x1840]  }
0x107: {  	v1 =	vld [tilespmem:s30+$0x2040];
	_ =	sdelay $0x1  }
0x108: {  	v2 =	vld [tilespmem:s30+$0x2840];
	_ =	sdelay $0x1  }
0x109: {  	v3 =	vld [tilespmem:s30+$0x3040]  }
0x10a: {  	v0 =	vsub.f32 v0, v1;
	_ =	sdelay $0x1  }
0x10b: {  	v0 =	vsub.f32 v0, v2;
	_ =	sdelay $0x1  }
0x10c: {  	v0 =	vadd.f32 v3, v0;
	_ =	sdelay $0x1  }
0x10d: {  	[tilespmem:s31+$0x5840] =	vst v0  }
0x10e: {  	v0 =	vld [tilespmem:s30+$0x1850]  }
0x10f: {  	v1 =	vld [tilespmem:s30+$0x2050]  }
0x110: {  	v2 =	vld [tilespmem:s30+$0x3050]  }
0x111: {  	v3 =	vld [tilespmem:s30+$0x2850];
	_ =	sdelay $0x2  }
0x112: {  	v0 =	vsub.f32 v0, v1;
	_ =	sdelay $0x1  }
0x113: {  	v0 =	vsub.f32 v0, v3;
	_ =	sdelay $0x1  }
0x114: {  	v0 =	vadd.f32 v2, v0;
	_ =	sdelay $0x1  }
0x115: {  	[tilespmem:s31+$0x5850] =	vst v0  }
0x116: {  	v0 =	vld [tilespmem:s30+$0x1860]  }
0x117: {  	v1 =	vld [tilespmem:s30+$0x2060]  }
0x118: {  	v2 =	vld [tilespmem:s30+$0x3060]  }
0x119: {  	v3 =	vld [tilespmem:s30+$0x2860];
	_ =	sdelay $0x2  }
0x11a: {  	v0 =	vsub.f32 v0, v1;
	_ =	sdelay $0x1  }
0x11b: {  	v0 =	vsub.f32 v0, v3;
	_ =	sdelay $0x1  }
0x11c: {  	v0 =	vadd.f32 v2, v0;
	_ =	sdelay $0x1  }
0x11d: {  	[tilespmem:s31+$0x5860] =	vst v0  }
0x11e: {  	v0 =	vld [tilespmem:s30+$0x1870]  }
0x11f: {  	v1 =	vld [tilespmem:s30+$0x2070]  }
0x120: {  	v2 =	vld [tilespmem:s30+$0x2870]  }
0x121: {  	v3 =	vld [tilespmem:s30+$0x3070];
	_ =	sdelay $0x2  }
0x122: {  	v0 =	vsub.f32 v0, v1;
	_ =	sdelay $0x1  }
0x123: {  	v0 =	vsub.f32 v0, v2;
	_ =	sdelay $0x1  }
0x124: {  	v0 =	vadd.f32 v3, v0;
	_ =	sdelay $0x1  }
0x125: {  	[tilespmem:s31+$0x5870] =	vst v0  }
0x126: {  	v0 =	vld [tilespmem:s30+$0x3800]  }
0x127: {  	v1 =	vld [tilespmem:s30+$0x4000]  }
0x128: {  	v2 =	vld [tilespmem:s30+$0x4800]  }
0x129: {  	v3 =	vld [tilespmem:s30+$0x5000];
	_ =	sdelay $0x2  }
0x12a: {  	v0 =	vsub.f32 v0, v1;
	_ =	sdelay $0x1  }
0x12b: {  	v0 =	vsub.f32 v0, v2;
	_ =	sdelay $0x1  }
0x12c: {  	v0 =	vadd.f32 v3, v0;
	_ =	sdelay $0x1  }
0x12d: {  	[tilespmem:s31+$0x5C00] =	vst v0  }
0x12e: {  	v0 =	vld [tilespmem:s30+$0x3810]  }
0x12f: {  	v1 =	vld [tilespmem:s30+$0x4010]  }
0x130: {  	v2 =	vld [tilespmem:s30+$0x4810]  }
0x131: {  	v3 =	vld [tilespmem:s30+$0x5010];
	_ =	sdelay $0x2  }
0x132: {  	v0 =	vsub.f32 v0, v1;
	_ =	sdelay $0x1  }
0x133: {  	v0 =	vsub.f32 v0, v2;
	_ =	sdelay $0x1  }
0x134: {  	v0 =	vadd.f32 v3, v0;
	_ =	sdelay $0x1  }
0x135: {  	[tilespmem:s31+$0x5C10] =	vst v0  }
0x136: {  	v0 =	vld [tilespmem:s30+$0x3820]  }
0x137: {  	v1 =	vld [tilespmem:s30+$0x4020]  }
0x138: {  	v2 =	vld [tilespmem:s30+$0x4820]  }
0x139: {  	v3 =	vld [tilespmem:s30+$0x5020];
	_ =	sdelay $0x2  }
0x13a: {  	v0 =	vsub.f32 v0, v1;
	_ =	sdelay $0x1  }
0x13b: {  	v0 =	vsub.f32 v0, v2;
	_ =	sdelay $0x1  }
0x13c: {  	v0 =	vadd.f32 v3, v0;
	_ =	sdelay $0x1  }
0x13d: {  	[tilespmem:s31+$0x5C20] =	vst v0  }
0x13e: {  	v0 =	vld [tilespmem:s30+$0x3830]  }
0x13f: {  	v1 =	vld [tilespmem:s30+$0x4030]  }
0x140: {  	v2 =	vld [tilespmem:s30+$0x4830]  }
0x141: {  	v3 =	vld [tilespmem:s30+$0x5030];
	_ =	sdelay $0x2  }
0x142: {  	v0 =	vsub.f32 v0, v1;
	_ =	sdelay $0x1  }
0x143: {  	v0 =	vsub.f32 v0, v2;
	_ =	sdelay $0x1  }
0x144: {  	v0 =	vadd.f32 v3, v0;
	_ =	sdelay $0x1  }
0x145: {  	[tilespmem:s31+$0x5C30] =	vst v0  }
0x146: {  	v0 =	vld [tilespmem:s30+$0x3840]  }
0x147: {  	v1 =	vld [tilespmem:s30+$0x4040]  }
0x148: {  	v2 =	vld [tilespmem:s30+$0x4840]  }
0x149: {  	v3 =	vld [tilespmem:s30+$0x5040];
	_ =	sdelay $0x2  }
0x14a: {  	v0 =	vsub.f32 v0, v1;
	_ =	sdelay $0x1  }
0x14b: {  	v0 =	vsub.f32 v0, v2;
	_ =	sdelay $0x1  }
0x14c: {  	v0 =	vadd.f32 v3, v0;
	_ =	sdelay $0x1  }
0x14d: {  	[tilespmem:s31+$0x5C40] =	vst v0  }
0x14e: {  	v0 =	vld [tilespmem:s30+$0x3850]  }
0x14f: {  	v1 =	vld [tilespmem:s30+$0x4050]  }
0x150: {  	v2 =	vld [tilespmem:s30+$0x4850]  }
0x151: {  	v3 =	vld [tilespmem:s30+$0x5050];
	_ =	sdelay $0x2  }
0x152: {  	v0 =	vsub.f32 v0, v1;
	_ =	sdelay $0x1  }
0x153: {  	v0 =	vsub.f32 v0, v2;
	_ =	sdelay $0x1  }
0x154: {  	v0 =	vadd.f32 v3, v0  }
.Ltmp2:
0x155: {  	(pc) =	sbr.rel @p1 .LBB2_2-.Ltmp2, $4  }
0x156: {  	[tilespmem:s31+$0x5C50] =	vst v0  }
0x157: {  	v0 =	vld [tilespmem:s30+$0x3860]  }
0x158: {  	v1 =	vld [tilespmem:s30+$0x4060]  }
0x159: {  	v2 =	vld [tilespmem:s30+$0x4860]  }
0x15a: {  	_ =	sdelay $0x1  }
0x15b: {  	v3 =	vld [tilespmem:s30+$0x5060]  }
0x15c: {  	v0 =	vsub.f32 v0, v1;
	_ =	sdelay $0x1  }
0x15d: {  	v0 =	vsub.f32 v0, v2;
	_ =	sdelay $0x1  }
0x15e: {  	v0 =	vadd.f32 v3, v0;
	_ =	sdelay $0x1  }
0x15f: {  	[tilespmem:s31+$0x5C60] =	vst v0  }
0x160: {  	v0 =	vld [tilespmem:s30+$0x3870]  }
0x161: {  	v61 =	vld [tilespmem:s30+$0x4070];
	_ =	sdelay $0x1  }
0x162: {  	v62 =	vld [tilespmem:s30+$0x4870];
	_ =	sdelay $0x1  }
0x163: {  	v63 =	vld [tilespmem:s30+$0x5070]  }
0x164: {  	v0 =	vsub.f32 v0, v61;
	_ =	sdelay $0x1  }
0x165: {  	v0 =	vsub.f32 v0, v62;
	_ =	sdelay $0x1  }
0x166: {  	v0 =	vadd.f32 v63, v0;
	_ =	sdelay $0x1  }
.Ltmp3:
0x167: {  	[tilespmem:s31+$0x5C70] =	vst v0;
	(pc) =	sbr.rel @p0 .LBB2_7-.Ltmp3, $4  }
0x168: {  	[hbm4b:s6+s3] =	stream.linear.scatter [tilespmem:s28], [sflag:$0x9], $0x1000, $0x38;
	[tilespmem:$0x6800] =	vst v63  }
0x169: {  	_ =	swait.ge [sflag:s10], $0x1000  }
0x16a: {  	[sflag:s10] =	ssyncset.done $0x0  }
0x16b: {  	[sflag:s10] =	ssyncadd.s32 $0xFFFFF000  }
0x16c: {  	v1 =	vld [tilespmem:s7+$0x180]  }
0x16d: {  	v0 =	vld [tilespmem:s7+$0x80]  }
0x16e: {  	v2 =	vld [tilespmem:s7+$0x100]  }
0x16f: {  	v3 =	vld [tilespmem:s7+$0x200];
	_ =	sdelay $0x1  }
0x170: {  	v1 =	vmul.f32 $6.250000000e-02, v1  }
0x171: {  	v0 =	vmul.f32 $6.250000000e-02, v0  }
0x172: {  	v4 =	vld [tilespmem:s7+$0x0];
	v2 =	vmul.f32 $6.250000000e-02, v2;
	v1 =	vtrunc.f32 v1  }
0x173: {  	v3 =	vtrunc.f32 v3;
	v1 =	vcvt.f32.s32 v1  }
0x174: {  	v3 =	vcvt.f32.s32 v3;
	v0 =	vtrunc.f32 v0  }
0x175: {  	v2 =	vtrunc.f32 v2;
	v0 =	vcvt.f32.s32 v0;
	v1 =	vmul.u32 $0x48, v1  }
0x176: {  	v2 =	vcvt.f32.s32 v2  }
0x177: {  	v4 =	vmul.f32 $6.250000000e-02, v4;
	v0 =	vmul.u32 $0x48, v0;
	v1 =	vadd.s32 v3, v1  }
0x178: {  	v5 =	vadd.s32 v2, v1  }
0x179: {  	v4 =	vtrunc.f32 v4;
	v0 =	vadd.s32 v3, v0  }
0x17a: {  	v3 =	vcvt.f32.s32 v4;
	v2 =	vadd.s32 v2, v0;
	_ =	sdelay $0x1  }
0x17b: {  	s30 =	simm.s32 $0x0;
	v1 =	vadd.s32 v3, v1  }
0x17c: {  	[tilespmem:s11], [sflag:$0x1] =	stream.indirect_vreg.gather [hbm4b:s4+s30], $0x80, v5, vm0, $0xb8;
	[tilespmem:$0x6800] =	vst v63  }
0x17d: {  	v0 =	vadd.s32 v3, v0  }
0x17e: {  	[tilespmem:s12], [sflag:$0x2] =	stream.indirect_vreg.gather [hbm4b:s4+s30], $0x80, v2, vm0, $0xb8;
	[tilespmem:$0x6800] =	vst v63  }
0x17f: {  	v3 =	vadd.s32 $0x4920, v5  }
0x180: {  	[tilespmem:s13], [sflag:$0x3] =	stream.indirect_vreg.gather [hbm4b:s4+s30], $0x80, v1, vm0, $0xb8;
	[tilespmem:$0x6800] =	vst v63  }
0x181: {  	v2 =	vadd.s32 $0x4920, v2  }
0x182: {  	[tilespmem:s14], [sflag:$0x4] =	stream.indirect_vreg.gather [hbm4b:s4+s30], $0x80, v0, vm0, $0xb8;
	[tilespmem:$0x6800] =	vst v63  }
0x183: {  	v1 =	vadd.s32 $0x4920, v1  }
0x184: {  	[tilespmem:s15], [sflag:$0x5] =	stream.indirect_vreg.gather [hbm4b:s4+s30], $0x80, v3, vm0, $0xb8;
	[tilespmem:$0x6800] =	vst v63  }
0x185: {  	v0 =	vadd.s32 $0x4920, v0  }
0x186: {  	[tilespmem:s16], [sflag:$0x6] =	stream.indirect_vreg.gather [hbm4b:s4+s30], $0x80, v2, vm0, $0xb8;
	[tilespmem:$0x6800] =	vst v63  }
0x187: {  	_ = 	snop  }
0x188: {  	[tilespmem:s17], [sflag:$0x7] =	stream.indirect_vreg.gather [hbm4b:s4+s30], $0x80, v1, vm0, $0xb8;
	[tilespmem:$0x6800] =	vst v63  }
0x189: {  	_ = 	snop  }
0x18a: {  	[tilespmem:s18], [sflag:$0x8] =	stream.indirect_vreg.gather [hbm4b:s4+s30], $0x80, v0, vm0, $0xb8;
	[tilespmem:$0x6800] =	vst v63  }
0x18b: {  	_ =	swait.ge [sflag:s19], $0x800  }
0x18c: {  	[sflag:s19] =	ssyncset.done $0x0  }
0x18d: {  	[sflag:s19] =	ssyncadd.s32 $0xFFFFF800  }
0x18e: {  	_ =	swait.ge [sflag:s20], $0x800  }
0x18f: {  	[sflag:s20] =	ssyncset.done $0x0  }
0x190: {  	[sflag:s20] =	ssyncadd.s32 $0xFFFFF800  }
0x191: {  	_ =	swait.ge [sflag:s21], $0x800  }
0x192: {  	[sflag:s21] =	ssyncset.done $0x0  }
0x193: {  	[sflag:s21] =	ssyncadd.s32 $0xFFFFF800  }
0x194: {  	_ =	swait.ge [sflag:s22], $0x800  }
0x195: {  	[sflag:s22] =	ssyncset.done $0x0  }
0x196: {  	[sflag:s22] =	ssyncadd.s32 $0xFFFFF800  }
0x197: {  	_ =	swait.ge [sflag:s23], $0x800  }
0x198: {  	[sflag:s23] =	ssyncset.done $0x0  }
0x199: {  	[sflag:s23] =	ssyncadd.s32 $0xFFFFF800  }
0x19a: {  	_ =	swait.ge [sflag:s24], $0x800  }
0x19b: {  	[sflag:s24] =	ssyncset.done $0x0  }
0x19c: {  	[sflag:s24] =	ssyncadd.s32 $0xFFFFF800  }
0x19d: {  	_ =	swait.ge [sflag:s25], $0x800  }
0x19e: {  	[sflag:s25] =	ssyncset.done $0x0  }
0x19f: {  	[sflag:s25] =	ssyncadd.s32 $0xFFFFF800  }
0x1a0: {  	_ =	swait.ge [sflag:s26], $0x800  }
0x1a1: {  	[sflag:s26] =	ssyncset.done $0x0  }
0x1a2: {  	s31 =	simm.s32 $0x0;
	[sflag:s26] =	ssyncadd.s32 $0xFFFFF800  }
0x1a3: {  	v0 =	vld [tilespmem:s31+$0x1800]  }
0x1a4: {  	v1 =	vld [tilespmem:s31+$0x2000];
	_ =	sdelay $0x1  }
0x1a5: {  	v2 =	vld [tilespmem:s31+$0x2800];
	_ =	sdelay $0x1  }
0x1a6: {  	v3 =	vld [tilespmem:s31+$0x3000]  }
0x1a7: {  	v0 =	vsub.f32 v0, v1;
	_ =	sdelay $0x1  }
0x1a8: {  	v0 =	vsub.f32 v0, v2;
	_ =	sdelay $0x1  }
0x1a9: {  	s0 =	sand.u32 $0x800, s30;
	s1 =	sand.u32 $0x380, s30;
	v0 =	vadd.f32 v3, v0  }
0x1aa: {  	s0 =	sor.u32 s1, s0  }
0x1ab: {  	[tilespmem:s0+$0x5800] =	vst v0  }
0x1ac: {  	v0 =	vld [tilespmem:s31+$0x1810]  }
0x1ad: {  	v1 =	vld [tilespmem:s31+$0x2010];
	_ =	sdelay $0x1  }
0x1ae: {  	v2 =	vld [tilespmem:s31+$0x2810];
	_ =	sdelay $0x1  }
0x1af: {  	v3 =	vld [tilespmem:s31+$0x3010]  }
0x1b0: {  	v0 =	vsub.f32 v0, v1;
	_ =	sdelay $0x1  }
0x1b1: {  	v0 =	vsub.f32 v0, v2;
	_ =	sdelay $0x1  }
0x1b2: {  	v0 =	vadd.f32 v3, v0;
	_ =	sdelay $0x1  }
0x1b3: {  	[tilespmem:s0+$0x5810] =	vst v0  }
0x1b4: {  	v0 =	vld [tilespmem:s31+$0x1820]  }
0x1b5: {  	v1 =	vld [tilespmem:s31+$0x2020];
	_ =	sdelay $0x1  }
0x1b6: {  	v2 =	vld [tilespmem:s31+$0x2820];
	_ =	sdelay $0x1  }
0x1b7: {  	v3 =	vld [tilespmem:s31+$0x3020]  }
0x1b8: {  	v0 =	vsub.f32 v0, v1;
	_ =	sdelay $0x1  }
0x1b9: {  	v0 =	vsub.f32 v0, v2;
	_ =	sdelay $0x1  }
0x1ba: {  	v0 =	vadd.f32 v3, v0;
	_ =	sdelay $0x1  }
0x1bb: {  	[tilespmem:s0+$0x5820] =	vst v0  }
0x1bc: {  	v0 =	vld [tilespmem:s31+$0x1830]  }
0x1bd: {  	v1 =	vld [tilespmem:s31+$0x2030];
	_ =	sdelay $0x1  }
0x1be: {  	v2 =	vld [tilespmem:s31+$0x2830];
	_ =	sdelay $0x1  }
0x1bf: {  	v3 =	vld [tilespmem:s31+$0x3030]  }
0x1c0: {  	v0 =	vsub.f32 v0, v1;
	_ =	sdelay $0x1  }
0x1c1: {  	v0 =	vsub.f32 v0, v2;
	_ =	sdelay $0x1  }
0x1c2: {  	v0 =	vadd.f32 v3, v0;
	_ =	sdelay $0x1  }
0x1c3: {  	[tilespmem:s0+$0x5830] =	vst v0  }
0x1c4: {  	v0 =	vld [tilespmem:s31+$0x1840]  }
0x1c5: {  	v1 =	vld [tilespmem:s31+$0x2040];
	_ =	sdelay $0x1  }
0x1c6: {  	v2 =	vld [tilespmem:s31+$0x2840];
	_ =	sdelay $0x1  }
0x1c7: {  	v3 =	vld [tilespmem:s31+$0x3040]  }
0x1c8: {  	v0 =	vsub.f32 v0, v1;
	_ =	sdelay $0x1  }
0x1c9: {  	v0 =	vsub.f32 v0, v2;
	_ =	sdelay $0x1  }
0x1ca: {  	v0 =	vadd.f32 v3, v0;
	_ =	sdelay $0x1  }
0x1cb: {  	[tilespmem:s0+$0x5840] =	vst v0  }
0x1cc: {  	v0 =	vld [tilespmem:s31+$0x1850]  }
0x1cd: {  	v1 =	vld [tilespmem:s31+$0x2050];
	_ =	sdelay $0x1  }
0x1ce: {  	v2 =	vld [tilespmem:s31+$0x2850];
	_ =	sdelay $0x1  }
0x1cf: {  	v3 =	vld [tilespmem:s31+$0x3050]  }
0x1d0: {  	v0 =	vsub.f32 v0, v1;
	_ =	sdelay $0x1  }
0x1d1: {  	v0 =	vsub.f32 v0, v2;
	_ =	sdelay $0x1  }
0x1d2: {  	v0 =	vadd.f32 v3, v0;
	_ =	sdelay $0x1  }
0x1d3: {  	[tilespmem:s0+$0x5850] =	vst v0  }
0x1d4: {  	v0 =	vld [tilespmem:s31+$0x1860]  }
0x1d5: {  	v1 =	vld [tilespmem:s31+$0x2060];
	_ =	sdelay $0x1  }
0x1d6: {  	v2 =	vld [tilespmem:s31+$0x2860];
	_ =	sdelay $0x1  }
0x1d7: {  	v3 =	vld [tilespmem:s31+$0x3060]  }
0x1d8: {  	v0 =	vsub.f32 v0, v1;
	_ =	sdelay $0x1  }
0x1d9: {  	v0 =	vsub.f32 v0, v2;
	_ =	sdelay $0x1  }
0x1da: {  	v0 =	vadd.f32 v3, v0;
	_ =	sdelay $0x1  }
0x1db: {  	[tilespmem:s0+$0x5860] =	vst v0  }
0x1dc: {  	v0 =	vld [tilespmem:s31+$0x1870]  }
0x1dd: {  	v1 =	vld [tilespmem:s31+$0x2070];
	_ =	sdelay $0x1  }
0x1de: {  	v2 =	vld [tilespmem:s31+$0x2870];
	_ =	sdelay $0x1  }
0x1df: {  	v3 =	vld [tilespmem:s31+$0x3070]  }
0x1e0: {  	v0 =	vsub.f32 v0, v1;
	_ =	sdelay $0x1  }
0x1e1: {  	v0 =	vsub.f32 v0, v2;
	_ =	sdelay $0x1  }
0x1e2: {  	v0 =	vadd.f32 v3, v0;
	_ =	sdelay $0x1  }
0x1e3: {  	[tilespmem:s0+$0x5870] =	vst v0  }
0x1e4: {  	v0 =	vld [tilespmem:s31+$0x3800]  }
0x1e5: {  	v1 =	vld [tilespmem:s31+$0x4000];
	_ =	sdelay $0x1  }
0x1e6: {  	v2 =	vld [tilespmem:s31+$0x4800];
	_ =	sdelay $0x1  }
0x1e7: {  	v3 =	vld [tilespmem:s31+$0x5000]  }
0x1e8: {  	v0 =	vsub.f32 v0, v1;
	_ =	sdelay $0x1  }
0x1e9: {  	v0 =	vsub.f32 v0, v2;
	_ =	sdelay $0x1  }
0x1ea: {  	v0 =	vadd.f32 v3, v0;
	_ =	sdelay $0x1  }
0x1eb: {  	[tilespmem:s0+$0x5C00] =	vst v0  }
0x1ec: {  	v0 =	vld [tilespmem:s31+$0x3810]  }
0x1ed: {  	v1 =	vld [tilespmem:s31+$0x4010];
	_ =	sdelay $0x1  }
0x1ee: {  	v2 =	vld [tilespmem:s31+$0x4810];
	_ =	sdelay $0x1  }
0x1ef: {  	v3 =	vld [tilespmem:s31+$0x5010]  }
0x1f0: {  	v0 =	vsub.f32 v0, v1;
	_ =	sdelay $0x1  }
0x1f1: {  	v0 =	vsub.f32 v0, v2;
	_ =	sdelay $0x1  }
0x1f2: {  	v0 =	vadd.f32 v3, v0;
	_ =	sdelay $0x1  }
0x1f3: {  	[tilespmem:s0+$0x5C10] =	vst v0  }
0x1f4: {  	v0 =	vld [tilespmem:s31+$0x3820]  }
0x1f5: {  	v1 =	vld [tilespmem:s31+$0x4020];
	_ =	sdelay $0x1  }
0x1f6: {  	v2 =	vld [tilespmem:s31+$0x4820];
	_ =	sdelay $0x1  }
0x1f7: {  	v3 =	vld [tilespmem:s31+$0x5020]  }
0x1f8: {  	v0 =	vsub.f32 v0, v1;
	_ =	sdelay $0x1  }
0x1f9: {  	v0 =	vsub.f32 v0, v2;
	_ =	sdelay $0x1  }
0x1fa: {  	v0 =	vadd.f32 v3, v0;
	_ =	sdelay $0x1  }
0x1fb: {  	[tilespmem:s0+$0x5C20] =	vst v0  }
0x1fc: {  	v0 =	vld [tilespmem:s31+$0x3830]  }
0x1fd: {  	v1 =	vld [tilespmem:s31+$0x4030];
	_ =	sdelay $0x1  }
0x1fe: {  	v2 =	vld [tilespmem:s31+$0x4830];
	_ =	sdelay $0x1  }
0x1ff: {  	v3 =	vld [tilespmem:s31+$0x5030]  }
0x200: {  	v0 =	vsub.f32 v0, v1;
	_ =	sdelay $0x1  }
0x201: {  	v0 =	vsub.f32 v0, v2;
	_ =	sdelay $0x1  }
0x202: {  	v0 =	vadd.f32 v3, v0;
	_ =	sdelay $0x1  }
0x203: {  	[tilespmem:s0+$0x5C30] =	vst v0  }
0x204: {  	v0 =	vld [tilespmem:s31+$0x3840]  }
0x205: {  	v1 =	vld [tilespmem:s31+$0x4040];
	_ =	sdelay $0x1  }
0x206: {  	v2 =	vld [tilespmem:s31+$0x4840];
	_ =	sdelay $0x1  }
0x207: {  	v3 =	vld [tilespmem:s31+$0x5040]  }
0x208: {  	v0 =	vsub.f32 v0, v1;
	_ =	sdelay $0x1  }
0x209: {  	v0 =	vsub.f32 v0, v2;
	_ =	sdelay $0x1  }
0x20a: {  	v0 =	vadd.f32 v3, v0;
	_ =	sdelay $0x1  }
0x20b: {  	[tilespmem:s0+$0x5C40] =	vst v0  }
0x20c: {  	v0 =	vld [tilespmem:s31+$0x3850]  }
0x20d: {  	v1 =	vld [tilespmem:s31+$0x4050];
	_ =	sdelay $0x1  }
0x20e: {  	v2 =	vld [tilespmem:s31+$0x4850];
	_ =	sdelay $0x1  }
0x20f: {  	v3 =	vld [tilespmem:s31+$0x5050]  }
0x210: {  	v0 =	vsub.f32 v0, v1;
	_ =	sdelay $0x1  }
0x211: {  	v0 =	vsub.f32 v0, v2;
	_ =	sdelay $0x1  }
0x212: {  	v0 =	vadd.f32 v3, v0;
	_ =	sdelay $0x1  }
0x213: {  	[tilespmem:s0+$0x5C50] =	vst v0  }
0x214: {  	v0 =	vld [tilespmem:s31+$0x3860]  }
0x215: {  	v1 =	vld [tilespmem:s31+$0x4060]  }
0x216: {  	s2 =	simm.s32 $0x200;
	s1 =	simm.s32 $0x0;
	v2 =	vld [tilespmem:s31+$0x4860]  }
.LBB2_5:
0x217: {  	p1 =	sne.s32 s2, $0x1E00;
	v3 =	vld [tilespmem:s31+$0x5060];
	s30 =	sadd.s32 $0x100, s30;
	s1 =	sadd.s32 $0x80, s1  }
0x218: {  	s8 =	smov.u32 s2;
	s2 =	sadd.s32 $0x200, s2;
	_ =	sdelay $0x1  }
0x219: {  	v0 =	vsub.f32 v0, v1;
	_ =	sdelay $0x1  }
0x21a: {  	v0 =	vsub.f32 v0, v2;
	_ =	sdelay $0x1  }
0x21b: {  	v0 =	vadd.f32 v3, v0;
	_ =	sdelay $0x1  }
0x21c: {  	[tilespmem:s0+$0x5C60] =	vst v0  }
0x21d: {  	v0 =	vld [tilespmem:s31+$0x3870]  }
0x21e: {  	v1 =	vld [tilespmem:s31+$0x4070]  }
0x21f: {  	v2 =	vld [tilespmem:s31+$0x4870]  }
0x220: {  	v3 =	vld [tilespmem:s31+$0x5070];
	_ =	sdelay $0x2  }
0x221: {  	s31 =	sshra.s32 s8, $0x2;
	v0 =	vsub.f32 v0, v1;
	_ =	sdelay $0x1  }
0x222: {  	v0 =	vsub.f32 v0, v2;
	_ =	sdelay $0x1  }
0x223: {  	v0 =	vadd.f32 v3, v0;
	_ =	sdelay $0x1  }
0x224: {  	[tilespmem:s0+$0x5C70] =	vst v0  }
0x225: {  	v0 =	vld [tilespmem:s31+$0x1800]  }
0x226: {  	v1 =	vld [tilespmem:s31+$0x2000]  }
0x227: {  	v2 =	vld [tilespmem:s31+$0x2800];
	_ =	sdelay $0x1  }
0x228: {  	v3 =	vld [tilespmem:s31+$0x3000];
	_ =	sdelay $0x1  }
0x229: {  	v0 =	vsub.f32 v0, v1;
	_ =	sdelay $0x1  }
0x22a: {  	v0 =	vsub.f32 v0, v2;
	_ =	sdelay $0x1  }
0x22b: {  	s8 =	sand.u32 $0x380, s1;
	s0 =	sand.u32 $0x800, s30;
	v0 =	vadd.f32 v3, v0  }
0x22c: {  	s0 =	sor.u32 s8, s0  }
0x22d: {  	[tilespmem:s0+$0x5800] =	vst v0  }
0x22e: {  	v0 =	vld [tilespmem:s31+$0x1810]  }
0x22f: {  	v1 =	vld [tilespmem:s31+$0x2010];
	_ =	sdelay $0x1  }
0x230: {  	v2 =	vld [tilespmem:s31+$0x2810];
	_ =	sdelay $0x1  }
0x231: {  	v3 =	vld [tilespmem:s31+$0x3010]  }
0x232: {  	v0 =	vsub.f32 v0, v1;
	_ =	sdelay $0x1  }
0x233: {  	v0 =	vsub.f32 v0, v2;
	_ =	sdelay $0x1  }
0x234: {  	v0 =	vadd.f32 v3, v0;
	_ =	sdelay $0x1  }
0x235: {  	[tilespmem:s0+$0x5810] =	vst v0  }
0x236: {  	v0 =	vld [tilespmem:s31+$0x1820]  }
0x237: {  	v1 =	vld [tilespmem:s31+$0x2020];
	_ =	sdelay $0x1  }
0x238: {  	v2 =	vld [tilespmem:s31+$0x2820];
	_ =	sdelay $0x1  }
0x239: {  	v3 =	vld [tilespmem:s31+$0x3020]  }
0x23a: {  	v0 =	vsub.f32 v0, v1;
	_ =	sdelay $0x1  }
0x23b: {  	v0 =	vsub.f32 v0, v2;
	_ =	sdelay $0x1  }
0x23c: {  	v0 =	vadd.f32 v3, v0;
	_ =	sdelay $0x1  }
0x23d: {  	[tilespmem:s0+$0x5820] =	vst v0  }
0x23e: {  	v0 =	vld [tilespmem:s31+$0x1830]  }
0x23f: {  	v1 =	vld [tilespmem:s31+$0x2030]  }
0x240: {  	v2 =	vld [tilespmem:s31+$0x3030]  }
0x241: {  	v3 =	vld [tilespmem:s31+$0x2830];
	_ =	sdelay $0x2  }
0x242: {  	v0 =	vsub.f32 v0, v1;
	_ =	sdelay $0x1  }
0x243: {  	v0 =	vsub.f32 v0, v3;
	_ =	sdelay $0x1  }
0x244: {  	v0 =	vadd.f32 v2, v0;
	_ =	sdelay $0x1  }
0x245: {  	[tilespmem:s0+$0x5830] =	vst v0  }
0x246: {  	v0 =	vld [tilespmem:s31+$0x1840]  }
0x247: {  	v1 =	vld [tilespmem:s31+$0x2040];
	_ =	sdelay $0x1  }
0x248: {  	v2 =	vld [tilespmem:s31+$0x2840];
	_ =	sdelay $0x1  }
0x249: {  	v3 =	vld [tilespmem:s31+$0x3040]  }
0x24a: {  	v0 =	vsub.f32 v0, v1;
	_ =	sdelay $0x1  }
0x24b: {  	v0 =	vsub.f32 v0, v2;
	_ =	sdelay $0x1  }
0x24c: {  	v0 =	vadd.f32 v3, v0;
	_ =	sdelay $0x1  }
0x24d: {  	[tilespmem:s0+$0x5840] =	vst v0  }
0x24e: {  	v0 =	vld [tilespmem:s31+$0x1850]  }
0x24f: {  	v1 =	vld [tilespmem:s31+$0x2050]  }
0x250: {  	v2 =	vld [tilespmem:s31+$0x3050]  }
0x251: {  	v3 =	vld [tilespmem:s31+$0x2850];
	_ =	sdelay $0x2  }
0x252: {  	v0 =	vsub.f32 v0, v1;
	_ =	sdelay $0x1  }
0x253: {  	v0 =	vsub.f32 v0, v3;
	_ =	sdelay $0x1  }
0x254: {  	v0 =	vadd.f32 v2, v0;
	_ =	sdelay $0x1  }
0x255: {  	[tilespmem:s0+$0x5850] =	vst v0  }
0x256: {  	v0 =	vld [tilespmem:s31+$0x1860]  }
0x257: {  	v1 =	vld [tilespmem:s31+$0x2060]  }
0x258: {  	v2 =	vld [tilespmem:s31+$0x3060]  }
0x259: {  	v3 =	vld [tilespmem:s31+$0x2860];
	_ =	sdelay $0x2  }
0x25a: {  	v0 =	vsub.f32 v0, v1;
	_ =	sdelay $0x1  }
0x25b: {  	v0 =	vsub.f32 v0, v3;
	_ =	sdelay $0x1  }
0x25c: {  	v0 =	vadd.f32 v2, v0;
	_ =	sdelay $0x1  }
0x25d: {  	[tilespmem:s0+$0x5860] =	vst v0  }
0x25e: {  	v0 =	vld [tilespmem:s31+$0x1870]  }
0x25f: {  	v1 =	vld [tilespmem:s31+$0x2070]  }
0x260: {  	v2 =	vld [tilespmem:s31+$0x2870]  }
0x261: {  	v3 =	vld [tilespmem:s31+$0x3070];
	_ =	sdelay $0x2  }
0x262: {  	v0 =	vsub.f32 v0, v1;
	_ =	sdelay $0x1  }
0x263: {  	v0 =	vsub.f32 v0, v2;
	_ =	sdelay $0x1  }
0x264: {  	v0 =	vadd.f32 v3, v0;
	_ =	sdelay $0x1  }
0x265: {  	[tilespmem:s0+$0x5870] =	vst v0  }
0x266: {  	v0 =	vld [tilespmem:s31+$0x3800]  }
0x267: {  	v1 =	vld [tilespmem:s31+$0x4000]  }
0x268: {  	v2 =	vld [tilespmem:s31+$0x4800]  }
0x269: {  	v3 =	vld [tilespmem:s31+$0x5000];
	_ =	sdelay $0x2  }
0x26a: {  	v0 =	vsub.f32 v0, v1;
	_ =	sdelay $0x1  }
0x26b: {  	v0 =	vsub.f32 v0, v2;
	_ =	sdelay $0x1  }
0x26c: {  	v0 =	vadd.f32 v3, v0;
	_ =	sdelay $0x1  }
0x26d: {  	[tilespmem:s0+$0x5C00] =	vst v0  }
0x26e: {  	v0 =	vld [tilespmem:s31+$0x3810]  }
0x26f: {  	v1 =	vld [tilespmem:s31+$0x4010]  }
0x270: {  	v2 =	vld [tilespmem:s31+$0x4810]  }
0x271: {  	v3 =	vld [tilespmem:s31+$0x5010];
	_ =	sdelay $0x2  }
0x272: {  	v0 =	vsub.f32 v0, v1;
	_ =	sdelay $0x1  }
0x273: {  	v0 =	vsub.f32 v0, v2;
	_ =	sdelay $0x1  }
0x274: {  	v0 =	vadd.f32 v3, v0;
	_ =	sdelay $0x1  }
0x275: {  	[tilespmem:s0+$0x5C10] =	vst v0  }
0x276: {  	v0 =	vld [tilespmem:s31+$0x3820]  }
0x277: {  	v1 =	vld [tilespmem:s31+$0x4020]  }
0x278: {  	v2 =	vld [tilespmem:s31+$0x4820]  }
0x279: {  	v3 =	vld [tilespmem:s31+$0x5020];
	_ =	sdelay $0x2  }
0x27a: {  	v0 =	vsub.f32 v0, v1;
	_ =	sdelay $0x1  }
0x27b: {  	v0 =	vsub.f32 v0, v2;
	_ =	sdelay $0x1  }
0x27c: {  	v0 =	vadd.f32 v3, v0;
	_ =	sdelay $0x1  }
0x27d: {  	[tilespmem:s0+$0x5C20] =	vst v0  }
0x27e: {  	v0 =	vld [tilespmem:s31+$0x3830]  }
0x27f: {  	v1 =	vld [tilespmem:s31+$0x4030]  }
0x280: {  	v2 =	vld [tilespmem:s31+$0x4830]  }
0x281: {  	v3 =	vld [tilespmem:s31+$0x5030];
	_ =	sdelay $0x2  }
0x282: {  	v0 =	vsub.f32 v0, v1;
	_ =	sdelay $0x1  }
0x283: {  	v0 =	vsub.f32 v0, v2;
	_ =	sdelay $0x1  }
0x284: {  	v0 =	vadd.f32 v3, v0;
	_ =	sdelay $0x1  }
0x285: {  	[tilespmem:s0+$0x5C30] =	vst v0  }
0x286: {  	v0 =	vld [tilespmem:s31+$0x3840]  }
0x287: {  	v1 =	vld [tilespmem:s31+$0x4040]  }
0x288: {  	v2 =	vld [tilespmem:s31+$0x4840]  }
0x289: {  	v3 =	vld [tilespmem:s31+$0x5040];
	_ =	sdelay $0x2  }
0x28a: {  	v0 =	vsub.f32 v0, v1;
	_ =	sdelay $0x1  }
0x28b: {  	v0 =	vsub.f32 v0, v2;
	_ =	sdelay $0x1  }
0x28c: {  	v0 =	vadd.f32 v3, v0;
	_ =	sdelay $0x1  }
0x28d: {  	[tilespmem:s0+$0x5C40] =	vst v0  }
0x28e: {  	v0 =	vld [tilespmem:s31+$0x3850]  }
0x28f: {  	v1 =	vld [tilespmem:s31+$0x4050]  }
0x290: {  	v2 =	vld [tilespmem:s31+$0x4850]  }
0x291: {  	v3 =	vld [tilespmem:s31+$0x5050];
	_ =	sdelay $0x2  }
0x292: {  	v0 =	vsub.f32 v0, v1;
	_ =	sdelay $0x1  }
0x293: {  	v0 =	vsub.f32 v0, v2;
	_ =	sdelay $0x1  }
0x294: {  	v0 =	vadd.f32 v3, v0  }
.Ltmp4:
0x295: {  	(pc) =	sbr.rel @p1 .LBB2_5-.Ltmp4, $4  }
0x296: {  	[tilespmem:s0+$0x5C50] =	vst v0  }
0x297: {  	v0 =	vld [tilespmem:s31+$0x3860]  }
0x298: {  	v1 =	vld [tilespmem:s31+$0x4060]  }
0x299: {  	v2 =	vld [tilespmem:s31+$0x4860]  }
.Ltmp5:
0x29a: {  	_ = 	snop;
	(pc) =	sbr.rel .LBB2_6-.Ltmp5, $1  }
0x29b: {  	_ =	sdelay $0x3  }
.LBB2_8:
0x29c: {  	_ =	sfence.sel $0x180000  }
0x29d: {  	[bflag:$0x0] =	sbarrier.arrive $0xFFFF  }
0x29e: {  	_ =	strace $0x90000047  }
0x29f: {  	s0 =	stileid.u32;
	[bflag:$0x2] =	sbarrier.arrive $0xFFFF  }
0x2a0: {  	p0 =	sne.s32 s0, $0x0;
	s0 =	rddreg [dreg:$0x2]  }
0x2a1: {  	s0 =	sadd.s32 @!p0 $0x100000, s0  }
0x2a2: {  	[sflag:s0] =	ssyncadd.tile.s32 @!p0 $0x1;
	_ =	shalt  }
.Lfunc_end2:
_tile_overlayer_lowered:
.L_overlay_start_2:
0x2a3: {  	(tag) =	ssettag $0x2  }
0x2a4: {  	s0 =	rddreg [dreg:$0x0];
	s2 =	stileid.u32  }
0x2a5: {  	s1 =	rddreg [dreg:$0x1];
	p0 =	sne.s32 s2, $0x0  }
0x2a6: {  	s3 =	rddreg [dreg:$0x2];
	[bflag:$0x3] =	sbarrier.arrive $0xFFFF;
	s2 =	simm.s32 @!p0 $0x1C09  }
0x2a7: {  	[timem:s3], [sflag:s2] =	dma.local @!p0 [hbm:s0], s1  }
0x2a8: {  	s0 =	simm.s32 @!p0 $0x9  }
0x2a9: {  	_ =	swait.ge @!p0 [sflag:s0], s1  }
0x2aa: {  	s1 =	ssub.s32 @!p0 $0x0, s1;
	[sflag:s0] =	ssyncset.done @!p0 $0x0  }
0x2ab: {  	[sflag:s0] =	ssyncadd.s32 @!p0 s1  }
0x2ac: {  	[bflag:$0x3] =	sbarrier.arrive $0xFFFF  }
0x2ad: {  	_ =	shalt  }

</sc_bundles>
